<compile_context>
chip_gen: v7x
topology: tpu7x:2x2x1
jax: 0.10.2.dev20260603
libtpu: 0.0.44.dev20260713+nightly
codegen_flags: <defaults>
</compile_context>

<pallas_src>
import functools

import jax
import jax.numpy as jnp
from jax import lax
from jax.experimental import pallas as pl
from jax.experimental.pallas import tpu as pltpu
from jax.experimental.pallas import tpu_sc as plsc

_BATCH = 16384
_NSUB = 4
_NGROUPS = 8
_NT = 16
_PER = _BATCH // _NT
_CHUNKS = _PER // 16
_UNROLL = 1

_mesh = plsc.VectorSubcoreMesh(
    core_axis_name="c", subcore_axis_name="s", num_cores=1)


@functools.partial(
    pl.kernel,
    out_type=jax.ShapeDtypeStruct((16,), jnp.float32),
    mesh=_mesh,
    scratch_types=[
        pltpu.VMEM((2 * _PER,), jnp.float32),
        pltpu.VMEM((_PER,), jnp.int32),
        pltpu.VMEM((_PER,), jnp.int32),
        pltpu.VMEM((256,), jnp.float32),
        pltpu.VMEM((_NT * 256,), jnp.float32),
        pltpu.VMEM((16,), jnp.float32),
        pltpu.VMEM_SHARED((_NT * 256,), jnp.float32),
        pltpu.SemaphoreType.DMA,
        pltpu.SemaphoreType.DMA,
        pltpu.SemaphoreType.DMA,
    ],
    compiler_params=pltpu.CompilerParams(
        needs_layout_passes=False, use_tc_tiling_on_sc=False),
)
def _sc_loss(logits_hbm, tgt_hbm, sg_hbm, out_hbm,
             lg_v, tv, sv, blk, gath, outv, shared, sem0, sem1, sem2):
    wid = lax.axis_index("s")
    base = wid * _PER

    c0 = pltpu.async_copy(logits_hbm.at[pl.ds(2 * base, 2 * _PER)], lg_v, sem0)
    c1 = pltpu.async_copy(tgt_hbm.at[pl.ds(base, _PER)], tv, sem1)
    c2 = pltpu.async_copy(sg_hbm.at[pl.ds(base, _PER)], sv, sem2)
    c0.wait()
    c1.wait()
    c2.wait()

    zeros = jnp.zeros((16,), jnp.float32)
    ones = jnp.ones((16,), jnp.float32)

    def one_chunk(i, accs, accc):
        t = tv[pl.ds(i * 16, 16)]
        s = sv[pl.ds(i * 16, 16)]
        off = (i // 8) * 256 + (i % 8) * 16
        la = lg_v[pl.ds(off, 16)]
        lb = lg_v[pl.ds(off + 128, 16)]
        d = (1 - 2 * t).astype(jnp.float32) * (la - lb)
        m = jnp.maximum(-d, 0.0)
        u = jnp.exp(-jnp.abs(d))
        z = u / (u + 2.0)
        z2 = z * z
        p = 2.0 * z * (1.0 + z2 * (0.33333333 + z2 * (0.2 + z2 * (0.14285714 + z2 * 0.11111111))))
        loss = m + p
        gid = t * _NSUB + s
        new_s = []
        new_c = []
        for g in range(_NGROUPS):
            mk = gid == g
            new_s.append(accs[g] + jnp.where(mk, loss, zeros))
            new_c.append(accc[g] + plsc.all_reduce_population_count(mk))
        return tuple(new_s), tuple(new_c)

    def body(j, acc):
        accs, accc = acc
        for k in range(_UNROLL):
            accs, accc = one_chunk(j * _UNROLL + k, accs, accc)
        return accs, accc

    izeros = jnp.zeros((16,), jnp.int32)
    init = (tuple(zeros for _ in range(_NGROUPS)),
            tuple(izeros for _ in range(_NGROUPS)))
    accs, accc = lax.fori_loop(0, _CHUNKS // _UNROLL, body, init)

    for g in range(_NGROUPS):
        blk[pl.ds(g * 16, 16)] = accs[g]
        blk[pl.ds((_NGROUPS + g) * 16, 16)] = accc[g].astype(jnp.float32)
    pltpu.sync_copy(blk, shared.at[pl.ds(wid * 256, 256)])
    plsc.subcore_barrier()

    @pl.when(wid == 0)
    def _finalize():
        pltpu.sync_copy(shared, gath)
        def red_body(t, acc):
            tb = t * 256
            return tuple(v + gath[pl.ds(tb + r * 16, 16)]
                         for r, v in enumerate(acc))

        rows = lax.fori_loop(
            1, _NT, red_body,
            tuple(gath[pl.ds(r * 16, 16)] for r in range(2 * _NGROUPS)))
        resv = zeros
        for g in range(_NGROUPS):
            cb = jnp.full((16,), jnp.sum(rows[_NGROUPS + g]) * 0.0625,
                          jnp.float32)
            resv = resv + jnp.where(cb > 0.0, rows[g] / cb, zeros)
        outv[...] = jnp.full((16,), jnp.sum(resv), jnp.float32)
        pltpu.sync_copy(outv, out_hbm)


def kernel(logits, targets, subgroup_inf):
    flat = logits.reshape(128, 128, 2).transpose(0, 2, 1).reshape(-1)
    out = _sc_loss(flat, targets, subgroup_inf)
    return out[0]

# --- scband reference (transcript-rebuilt; emitter-appended) ---
"""Pipeline reference for scband-online-reweighting-loss-71244917506325 (READ-ONLY COPY).

The authoritative reference and input builder live on the scoring server;
editing this copy changes nothing except your own understanding.
"""

import jax, jax.numpy as jnp
import numpy as np

BATCH = 16384
NUM_CLASSES = 2
NUM_SUBGROUPS = 4


def setup_inputs(seed: int = 0) -> dict:
    key = jax.random.key(seed)
    k1, k2, k3 = jax.random.split(key, 3)
    logits = jax.random.normal(k1, (BATCH, NUM_CLASSES), dtype=jnp.float32)
    targets = jax.random.randint(k2, (BATCH,), 0, NUM_CLASSES, dtype=jnp.int32)
    subgroup_inf = jax.random.randint(k3, (BATCH,), 0, NUM_SUBGROUPS, dtype=jnp.int32)
    return {"logits": logits, "targets": targets, "subgroup_inf": subgroup_inf}


def reference(logits, targets, subgroup_inf):
    # Per-sample cross-entropy (loss_fn with reduction='none')
    logz = jax.nn.logsumexp(logits, axis=-1)
    ll = jnp.take_along_axis(logits, targets[:, None], axis=-1)[:, 0]
    unweighted_loss = logz - ll
    # Reweight each sample by the inverse size of its (target, subgroup) intersection.
    # Equivalent to the torch double loop over targets.unique() x subgroup_inf.unique():
    # each sample's loss is divided by the count of its (y, s) group.
    gid = targets * NUM_SUBGROUPS + subgroup_inf
    counts = jnp.bincount(gid, length=NUM_CLASSES * NUM_SUBGROUPS)
    w = 1.0 / counts[gid].astype(jnp.float32)
    return jnp.sum(unweighted_loss * w)

if __name__ == "__main__":
    import jax
    _d = setup_inputs()
    print(jax.jit(kernel)(*tuple(_d.values())))

</pallas_src>

<mosaic_0001>
#map = affine_map<(d0, d1) -> (0)>
module attributes {stable_mosaic.version = 14 : i64} {
  func.func @_sc_loss(%arg0: i32, %arg1: i32, %arg2: memref<32768xf32, #tpu.memory_space<hbm>>, %arg3: memref<16384xi32, #tpu.memory_space<hbm>>, %arg4: memref<16384xi32, #tpu.memory_space<hbm>>, %arg5: memref<16xf32, #tpu.memory_space<hbm>>, %arg6: memref<2048xf32, #tpu.memory_space<vmem>>, %arg7: memref<1024xi32, #tpu.memory_space<vmem>>, %arg8: memref<1024xi32, #tpu.memory_space<vmem>>, %arg9: memref<256xf32, #tpu.memory_space<vmem>>, %arg10: memref<4096xf32, #tpu.memory_space<vmem>>, %arg11: memref<16xf32, #tpu.memory_space<vmem>>, %arg12: memref<4096xf32, #tpu.memory_space<vmem_shared>>, %arg13: memref<!tpu.dma_semaphore, #tpu.memory_space<semaphore_mem>>, %arg14: memref<!tpu.dma_semaphore, #tpu.memory_space<semaphore_mem>>, %arg15: memref<!tpu.dma_semaphore, #tpu.memory_space<semaphore_mem>>) attributes {dimension_semantics = [#tpu.dimension_semantics<core_parallel>, #tpu.dimension_semantics<subcore_parallel>], iteration_bounds = array<i64: 1, 16>, scalar_prefetch = 0 : i64, scratch_operands = 10 : i64, tpu.core_type = #tpu.core_type<sc_vector_subcore>, window_params = [{transform_indices = #map}, {transform_indices = #map}, {transform_indices = #map}, {transform_indices = #map}]} {
    %mul3A = arith.constant 1024 : i32
    %mul3A_0 = arith.muli %arg1, %mul3A : i32
    %mul3A_1 = arith.constant 2 : i32
    %mul3A_2 = arith.muli %mul3A_1, %mul3A_0 : i32
    %dma_start3A = tpu.memref_slice %arg2[%mul3A_2] : memref<32768xf32, #tpu.memory_space<hbm>> -> memref<2048xf32, #tpu.memory_space<hbm>>
    %dma_start3A_3 = tpu.memref_slice %arg2[%mul3A_2] : memref<32768xf32, #tpu.memory_space<hbm>> -> memref<2048xf32, #tpu.memory_space<hbm>>
    tpu.enqueue_dma source(%dma_start3A_3 : memref<2048xf32, #tpu.memory_space<hbm>>) target(%arg6 : memref<2048xf32, #tpu.memory_space<vmem>>) target_semaphore(%arg13 : memref<!tpu.dma_semaphore, #tpu.memory_space<semaphore_mem>>)
    %dma_start3A_4 = tpu.memref_slice %arg3[%mul3A_0] : memref<16384xi32, #tpu.memory_space<hbm>> -> memref<1024xi32, #tpu.memory_space<hbm>>
    %dma_start3A_5 = tpu.memref_slice %arg3[%mul3A_0] : memref<16384xi32, #tpu.memory_space<hbm>> -> memref<1024xi32, #tpu.memory_space<hbm>>
    tpu.enqueue_dma source(%dma_start3A_5 : memref<1024xi32, #tpu.memory_space<hbm>>) target(%arg7 : memref<1024xi32, #tpu.memory_space<vmem>>) target_semaphore(%arg14 : memref<!tpu.dma_semaphore, #tpu.memory_space<semaphore_mem>>)
    %dma_start3A_6 = tpu.memref_slice %arg4[%mul3A_0] : memref<16384xi32, #tpu.memory_space<hbm>> -> memref<1024xi32, #tpu.memory_space<hbm>>
    %dma_start3A_7 = tpu.memref_slice %arg4[%mul3A_0] : memref<16384xi32, #tpu.memory_space<hbm>> -> memref<1024xi32, #tpu.memory_space<hbm>>
    tpu.enqueue_dma source(%dma_start3A_7 : memref<1024xi32, #tpu.memory_space<hbm>>) target(%arg8 : memref<1024xi32, #tpu.memory_space<vmem>>) target_semaphore(%arg15 : memref<!tpu.dma_semaphore, #tpu.memory_space<semaphore_mem>>)
    %dma_wait3A = tpu.memref_slice %arg2[%mul3A_2] : memref<32768xf32, #tpu.memory_space<hbm>> -> memref<2048xf32, #tpu.memory_space<hbm>>
    %dma_wait3A_8 = tpu.memref_slice %arg2[%mul3A_2] : memref<32768xf32, #tpu.memory_space<hbm>> -> memref<2048xf32, #tpu.memory_space<hbm>>
    tpu.wait_dma2 semaphore(%arg13 : memref<!tpu.dma_semaphore, #tpu.memory_space<semaphore_mem>>) src(%dma_wait3A_8 : memref<2048xf32, #tpu.memory_space<hbm>>) dst(%arg6 : memref<2048xf32, #tpu.memory_space<vmem>>)
    %dma_wait3A_9 = tpu.memref_slice %arg3[%mul3A_0] : memref<16384xi32, #tpu.memory_space<hbm>> -> memref<1024xi32, #tpu.memory_space<hbm>>
    %dma_wait3A_10 = tpu.memref_slice %arg3[%mul3A_0] : memref<16384xi32, #tpu.memory_space<hbm>> -> memref<1024xi32, #tpu.memory_space<hbm>>
    tpu.wait_dma2 semaphore(%arg14 : memref<!tpu.dma_semaphore, #tpu.memory_space<semaphore_mem>>) src(%dma_wait3A_10 : memref<1024xi32, #tpu.memory_space<hbm>>) dst(%arg7 : memref<1024xi32, #tpu.memory_space<vmem>>)
    %dma_wait3A_11 = tpu.memref_slice %arg4[%mul3A_0] : memref<16384xi32, #tpu.memory_space<hbm>> -> memref<1024xi32, #tpu.memory_space<hbm>>
    %dma_wait3A_12 = tpu.memref_slice %arg4[%mul3A_0] : memref<16384xi32, #tpu.memory_space<hbm>> -> memref<1024xi32, #tpu.memory_space<hbm>>
    tpu.wait_dma2 semaphore(%arg15 : memref<!tpu.dma_semaphore, #tpu.memory_space<semaphore_mem>>) src(%dma_wait3A_12 : memref<1024xi32, #tpu.memory_space<hbm>>) dst(%arg8 : memref<1024xi32, #tpu.memory_space<vmem>>)
    %broadcast_in_dim3A = arith.constant 0.000000e+00 : f32
    %broadcast_in_dim3A_13 = vector.broadcast %broadcast_in_dim3A : f32 to vector<16xf32>
    %broadcast_in_dim3A_14 = arith.constant 1.000000e+00 : f32
    %broadcast_in_dim3A_15 = vector.broadcast %broadcast_in_dim3A_14 : f32 to vector<16xf32>
    %broadcast_in_dim3A_16 = arith.constant 0 : i32
    %broadcast_in_dim3A_17 = vector.broadcast %broadcast_in_dim3A_16 : i32 to vector<16xi32>
    %scan3A = arith.constant 0 : i32
    %scan3A_18 = arith.constant 64 : i32
    %scan3A_19 = arith.addi %scan3A, %scan3A_18 : i32
    %scan3A_20 = arith.constant 1 : i32
    %scan3A_21:16 = scf.for %scan3A_66 = %scan3A to %scan3A_19 step %scan3A_20 iter_args(%scan3A_67 = %broadcast_in_dim3A_13, %scan3A_68 = %broadcast_in_dim3A_13, %scan3A_69 = %broadcast_in_dim3A_13, %scan3A_70 = %broadcast_in_dim3A_13, %scan3A_71 = %broadcast_in_dim3A_13, %scan3A_72 = %broadcast_in_dim3A_13, %scan3A_73 = %broadcast_in_dim3A_13, %scan3A_74 = %broadcast_in_dim3A_13, %scan3A_75 = %broadcast_in_dim3A_17, %scan3A_76 = %broadcast_in_dim3A_17, %scan3A_77 = %broadcast_in_dim3A_17, %scan3A_78 = %broadcast_in_dim3A_17, %scan3A_79 = %broadcast_in_dim3A_17, %scan3A_80 = %broadcast_in_dim3A_17, %scan3A_81 = %broadcast_in_dim3A_17, %scan3A_82 = %broadcast_in_dim3A_17) -> (vector<16xf32>, vector<16xf32>, vector<16xf32>, vector<16xf32>, vector<16xf32>, vector<16xf32>, vector<16xf32>, vector<16xf32>, vector<16xi32>, vector<16xi32>, vector<16xi32>, vector<16xi32>, vector<16xi32>, vector<16xi32>, vector<16xi32>, vector<16xi32>)  : i32 {
      %mul3A_83 = arith.constant 1 : i32
      %mul3A_84 = arith.muli %scan3A_66, %mul3A_83 : i32
      %add3A = arith.constant 0 : i32
      %add3A_85 = arith.addi %mul3A_84, %add3A : i32
      %mul3A_86 = arith.constant 16 : i32
      %mul3A_87 = arith.muli %add3A_85, %mul3A_86 : i32
      %get3A = arith.index_cast %mul3A_87 : i32 to index
      %get3A_88 = tpu.vector_load %arg7[%get3A] {strides = array<i32>} : memref<1024xi32, #tpu.memory_space<vmem>>, vector<16xi32>,
      %mul3A_89 = arith.constant 16 : i32
      %mul3A_90 = arith.muli %add3A_85, %mul3A_89 : i32
      %get3A_91 = arith.index_cast %mul3A_90 : i32 to index
      %get3A_92 = tpu.vector_load %arg8[%get3A_91] {strides = array<i32>} : memref<1024xi32, #tpu.memory_space<vmem>>, vector<16xi32>,
      %jit3A = arith.constant 8 : i32
      %div3A = arith.divsi %add3A_85, %jit3A : i32
      %sign3A = arith.constant 0 : i32
      %sign3A_93 = arith.cmpi sgt, %add3A_85, %sign3A : i32
      %sign3A_94 = arith.extui %sign3A_93 : i1 to i32
      %sign3A_95 = arith.constant 0 : i32
      %sign3A_96 = arith.cmpi slt, %add3A_85, %sign3A_95 : i32
      %sign3A_97 = arith.extui %sign3A_96 : i1 to i32
      %sign3A_98 = arith.subi %sign3A_94, %sign3A_97 : i32
      %sign3A_99 = arith.constant 0 : i32
      %sign3A_100 = arith.cmpi sgt, %jit3A, %sign3A_99 : i32
      %sign3A_101 = arith.extui %sign3A_100 : i1 to i32
      %sign3A_102 = arith.constant 0 : i32
      %sign3A_103 = arith.cmpi slt, %jit3A, %sign3A_102 : i32
      %sign3A_104 = arith.extui %sign3A_103 : i1 to i32
      %sign3A_105 = arith.subi %sign3A_101, %sign3A_104 : i32
      %ne3A = arith.cmpi ne, %sign3A_98, %sign3A_105 : i32
      %rem3A = arith.remsi %add3A_85, %jit3A : i32
      %ne3A_106 = arith.constant 0 : i32
      %ne3A_107 = arith.cmpi ne, %rem3A, %ne3A_106 : i32
      %and3A = arith.andi %ne3A, %ne3A_107 : i1
      %sub3A = arith.constant 1 : i32
      %sub3A_108 = arith.subi %div3A, %sub3A : i32
      %select_n3A = arith.select %and3A, %sub3A_108, %div3A : i32
      %mul3A_109 = arith.constant 256 : i32
      %mul3A_110 = arith.muli %select_n3A, %mul3A_109 : i32
      %jit3A_111 = arith.constant 8 : i32
      %eq3A_112 = arith.constant 0 : i32
      %eq3A_113 = arith.cmpi eq, %jit3A_111, %eq3A_112 : i32
      %jit3A_114 = arith.constant 1 : i32
      %select_n3A_115 = arith.select %eq3A_113, %jit3A_114, %jit3A_111 : i32
      %rem3A_116 = arith.remsi %add3A_85, %select_n3A_115 : i32
      %ne3A_117 = arith.constant 0 : i32
      %ne3A_118 = arith.cmpi ne, %rem3A_116, %ne3A_117 : i32
      %lt3A = arith.constant 0 : i32
      %lt3A_119 = arith.cmpi slt, %rem3A_116, %lt3A : i32
      %lt3A_120 = arith.constant 0 : i32
      %lt3A_121 = arith.cmpi slt, %select_n3A_115, %lt3A_120 : i32
      %ne3A_122 = arith.xori %lt3A_119, %lt3A_121 : i1
      %and3A_123 = arith.andi %ne3A_122, %ne3A_118 : i1
      %add3A_124 = arith.addi %rem3A_116, %select_n3A_115 : i32
      %select_n3A_125 = arith.select %and3A_123, %add3A_124, %rem3A_116 : i32
      %mul3A_126 = arith.constant 16 : i32
      %mul3A_127 = arith.muli %select_n3A_125, %mul3A_126 : i32
      %add3A_128 = arith.addi %mul3A_110, %mul3A_127 : i32
      %get3A_129 = arith.index_cast %add3A_128 : i32 to index
      %get3A_130 = tpu.vector_load %arg6[%get3A_129] {strides = array<i32>} : memref<2048xf32, #tpu.memory_space<vmem>>, vector<16xf32>,
      %add3A_131 = arith.constant 128 : i32
      %add3A_132 = arith.addi %add3A_128, %add3A_131 : i32
      %get3A_133 = arith.index_cast %add3A_132 : i32 to index
      %get3A_134 = tpu.vector_load %arg6[%get3A_133] {strides = array<i32>} : memref<2048xf32, #tpu.memory_space<vmem>>, vector<16xf32>,
      %mul3A_135 = arith.constant 2 : i32
      %mul3A_136 = vector.broadcast %mul3A_135 : i32 to vector<16xi32>
      %mul3A_137 = arith.muli %mul3A_136, %get3A_88 : vector<16xi32>
      %sub3A_138 = arith.constant 1 : i32
      %sub3A_139 = vector.broadcast %sub3A_138 : i32 to vector<16xi32>
      %sub3A_140 = arith.subi %sub3A_139, %mul3A_137 : vector<16xi32>
      %convert_element_type3A_141 = arith.sitofp %sub3A_140 : vector<16xi32> to vector<16xf32>
      %sub3A_142 = arith.subf %get3A_130, %get3A_134 : vector<16xf32>
      %mul3A_143 = arith.mulf %convert_element_type3A_141, %sub3A_142 : vector<16xf32>
      %neg3A = arith.constant 0.000000e+00 : f32
      %neg3A_144 = vector.broadcast %neg3A : f32 to vector<16xf32>
      %neg3A_145 = arith.subf %neg3A_144, %mul3A_143 : vector<16xf32>
      %max3A = arith.constant 0.000000e+00 : f32
      %max3A_146 = vector.broadcast %max3A : f32 to vector<16xf32>
      %max3A_147 = arith.maximumf %neg3A_145, %max3A_146 : vector<16xf32>
      %abs3A = math.absf %mul3A_143 : vector<16xf32>
      %neg3A_148 = arith.constant 0.000000e+00 : f32
      %neg3A_149 = vector.broadcast %neg3A_148 : f32 to vector<16xf32>
      %neg3A_150 = arith.subf %neg3A_149, %abs3A : vector<16xf32>
      %exp3A = math.exp %neg3A_150 : vector<16xf32>
      %add3A_151 = arith.constant 2.000000e+00 : f32
      %add3A_152 = vector.broadcast %add3A_151 : f32 to vector<16xf32>
      %add3A_153 = arith.addf %exp3A, %add3A_152 : vector<16xf32>
      %div3A_154 = arith.divf %exp3A, %add3A_153 : vector<16xf32>
      %mul3A_155 = arith.mulf %div3A_154, %div3A_154 : vector<16xf32>
      %mul3A_156 = arith.constant 2.000000e+00 : f32
      %mul3A_157 = vector.broadcast %mul3A_156 : f32 to vector<16xf32>
      %mul3A_158 = arith.mulf %mul3A_157, %div3A_154 : vector<16xf32>
      %mul3A_159 = arith.constant 0.111111112 : f32
      %mul3A_160 = vector.broadcast %mul3A_159 : f32 to vector<16xf32>
      %mul3A_161 = arith.mulf %mul3A_155, %mul3A_160 : vector<16xf32>
      %add3A_162 = arith.constant 0.142857134 : f32
      %add3A_163 = vector.broadcast %add3A_162 : f32 to vector<16xf32>
      %add3A_164 = arith.addf %add3A_163, %mul3A_161 : vector<16xf32>
      %mul3A_165 = arith.mulf %mul3A_155, %add3A_164 : vector<16xf32>
      %add3A_166 = arith.constant 2.000000e-01 : f32
      %add3A_167 = vector.broadcast %add3A_166 : f32 to vector<16xf32>
      %add3A_168 = arith.addf %add3A_167, %mul3A_165 : vector<16xf32>
      %mul3A_169 = arith.mulf %mul3A_155, %add3A_168 : vector<16xf32>
      %add3A_170 = arith.constant 0.333333343 : f32
      %add3A_171 = vector.broadcast %add3A_170 : f32 to vector<16xf32>
      %add3A_172 = arith.addf %add3A_171, %mul3A_169 : vector<16xf32>
      %mul3A_173 = arith.mulf %mul3A_155, %add3A_172 : vector<16xf32>
      %add3A_174 = arith.constant 1.000000e+00 : f32
      %add3A_175 = vector.broadcast %add3A_174 : f32 to vector<16xf32>
      %add3A_176 = arith.addf %add3A_175, %mul3A_173 : vector<16xf32>
      %mul3A_177 = arith.mulf %mul3A_158, %add3A_176 : vector<16xf32>
      %add3A_178 = arith.addf %max3A_147, %mul3A_177 : vector<16xf32>
      %mul3A_179 = arith.constant 4 : i32
      %mul3A_180 = vector.broadcast %mul3A_179 : i32 to vector<16xi32>
      %mul3A_181 = arith.muli %get3A_88, %mul3A_180 : vector<16xi32>
      %add3A_182 = arith.addi %mul3A_181, %get3A_92 : vector<16xi32>
      %eq3A_183 = arith.constant 0 : i32
      %eq3A_184 = vector.broadcast %eq3A_183 : i32 to vector<16xi32>
      %eq3A_185 = arith.cmpi eq, %add3A_182, %eq3A_184 : vector<16xi32>
      %select_n3A_186 = arith.select %eq3A_185, %add3A_178, %broadcast_in_dim3A_13 : vector<16xi1>, vector<16xf32>
      %add3A_187 = arith.addf %scan3A_67, %select_n3A_186 : vector<16xf32>
      %all_reduce_population_count3A = tpu.all_reduce %eq3A_185 {dim = 0 : i64, kind = #tpu.reduction_kind<sum>} : vector<16xi1> -> vector<16xi32>
      %add3A_188 = arith.addi %scan3A_75, %all_reduce_population_count3A : vector<16xi32>
      %eq3A_189 = arith.constant 1 : i32
      %eq3A_190 = vector.broadcast %eq3A_189 : i32 to vector<16xi32>
      %eq3A_191 = arith.cmpi eq, %add3A_182, %eq3A_190 : vector<16xi32>
      %select_n3A_192 = arith.select %eq3A_191, %add3A_178, %broadcast_in_dim3A_13 : vector<16xi1>, vector<16xf32>
      %add3A_193 = arith.addf %scan3A_68, %select_n3A_192 : vector<16xf32>
      %all_reduce_population_count3A_194 = tpu.all_reduce %eq3A_191 {dim = 0 : i64, kind = #tpu.reduction_kind<sum>} : vector<16xi1> -> vector<16xi32>
      %add3A_195 = arith.addi %scan3A_76, %all_reduce_population_count3A_194 : vector<16xi32>
      %eq3A_196 = arith.constant 2 : i32
      %eq3A_197 = vector.broadcast %eq3A_196 : i32 to vector<16xi32>
      %eq3A_198 = arith.cmpi eq, %add3A_182, %eq3A_197 : vector<16xi32>
      %select_n3A_199 = arith.select %eq3A_198, %add3A_178, %broadcast_in_dim3A_13 : vector<16xi1>, vector<16xf32>
      %add3A_200 = arith.addf %scan3A_69, %select_n3A_199 : vector<16xf32>
      %all_reduce_population_count3A_201 = tpu.all_reduce %eq3A_198 {dim = 0 : i64, kind = #tpu.reduction_kind<sum>} : vector<16xi1> -> vector<16xi32>
      %add3A_202 = arith.addi %scan3A_77, %all_reduce_population_count3A_201 : vector<16xi32>
      %eq3A_203 = arith.constant 3 : i32
      %eq3A_204 = vector.broadcast %eq3A_203 : i32 to vector<16xi32>
      %eq3A_205 = arith.cmpi eq, %add3A_182, %eq3A_204 : vector<16xi32>
      %select_n3A_206 = arith.select %eq3A_205, %add3A_178, %broadcast_in_dim3A_13 : vector<16xi1>, vector<16xf32>
      %add3A_207 = arith.addf %scan3A_70, %select_n3A_206 : vector<16xf32>
      %all_reduce_population_count3A_208 = tpu.all_reduce %eq3A_205 {dim = 0 : i64, kind = #tpu.reduction_kind<sum>} : vector<16xi1> -> vector<16xi32>
      %add3A_209 = arith.addi %scan3A_78, %all_reduce_population_count3A_208 : vector<16xi32>
      %eq3A_210 = arith.constant 4 : i32
      %eq3A_211 = vector.broadcast %eq3A_210 : i32 to vector<16xi32>
      %eq3A_212 = arith.cmpi eq, %add3A_182, %eq3A_211 : vector<16xi32>
      %select_n3A_213 = arith.select %eq3A_212, %add3A_178, %broadcast_in_dim3A_13 : vector<16xi1>, vector<16xf32>
      %add3A_214 = arith.addf %scan3A_71, %select_n3A_213 : vector<16xf32>
      %all_reduce_population_count3A_215 = tpu.all_reduce %eq3A_212 {dim = 0 : i64, kind = #tpu.reduction_kind<sum>} : vector<16xi1> -> vector<16xi32>
      %add3A_216 = arith.addi %scan3A_79, %all_reduce_population_count3A_215 : vector<16xi32>
      %eq3A_217 = arith.constant 5 : i32
      %eq3A_218 = vector.broadcast %eq3A_217 : i32 to vector<16xi32>
      %eq3A_219 = arith.cmpi eq, %add3A_182, %eq3A_218 : vector<16xi32>
      %select_n3A_220 = arith.select %eq3A_219, %add3A_178, %broadcast_in_dim3A_13 : vector<16xi1>, vector<16xf32>
      %add3A_221 = arith.addf %scan3A_72, %select_n3A_220 : vector<16xf32>
      %all_reduce_population_count3A_222 = tpu.all_reduce %eq3A_219 {dim = 0 : i64, kind = #tpu.reduction_kind<sum>} : vector<16xi1> -> vector<16xi32>
      %add3A_223 = arith.addi %scan3A_80, %all_reduce_population_count3A_222 : vector<16xi32>
      %eq3A_224 = arith.constant 6 : i32
      %eq3A_225 = vector.broadcast %eq3A_224 : i32 to vector<16xi32>
      %eq3A_226 = arith.cmpi eq, %add3A_182, %eq3A_225 : vector<16xi32>
      %select_n3A_227 = arith.select %eq3A_226, %add3A_178, %broadcast_in_dim3A_13 : vector<16xi1>, vector<16xf32>
      %add3A_228 = arith.addf %scan3A_73, %select_n3A_227 : vector<16xf32>
      %all_reduce_population_count3A_229 = tpu.all_reduce %eq3A_226 {dim = 0 : i64, kind = #tpu.reduction_kind<sum>} : vector<16xi1> -> vector<16xi32>
      %add3A_230 = arith.addi %scan3A_81, %all_reduce_population_count3A_229 : vector<16xi32>
      %eq3A_231 = arith.constant 7 : i32
      %eq3A_232 = vector.broadcast %eq3A_231 : i32 to vector<16xi32>
      %eq3A_233 = arith.cmpi eq, %add3A_182, %eq3A_232 : vector<16xi32>
      %select_n3A_234 = arith.select %eq3A_233, %add3A_178, %broadcast_in_dim3A_13 : vector<16xi1>, vector<16xf32>
      %add3A_235 = arith.addf %scan3A_74, %select_n3A_234 : vector<16xf32>
      %all_reduce_population_count3A_236 = tpu.all_reduce %eq3A_233 {dim = 0 : i64, kind = #tpu.reduction_kind<sum>} : vector<16xi1> -> vector<16xi32>
      %add3A_237 = arith.addi %scan3A_82, %all_reduce_population_count3A_236 : vector<16xi32>
      scf.yield %add3A_187, %add3A_193, %add3A_200, %add3A_207, %add3A_214, %add3A_221, %add3A_228, %add3A_235, %add3A_188, %add3A_195, %add3A_202, %add3A_209, %add3A_216, %add3A_223, %add3A_230, %add3A_237 : vector<16xf32>, vector<16xf32>, vector<16xf32>, vector<16xf32>, vector<16xf32>, vector<16xf32>, vector<16xf32>, vector<16xf32>, vector<16xi32>, vector<16xi32>, vector<16xi32>, vector<16xi32>, vector<16xi32>, vector<16xi32>, vector<16xi32>, vector<16xi32>
    }
    %scan3A_22 = arith.constant 64 : i32
    %swap3A = arith.constant 0 : index
    %swap3A_23 = tpu.vector_load %arg9[%swap3A] {strides = array<i32>} : memref<256xf32, #tpu.memory_space<vmem>>, vector<16xf32>,
    tpu.vector_store %arg9[%swap3A], %scan3A_21#0 {strides = array<i32>} : memref<256xf32, #tpu.memory_space<vmem>>, vector<16xf32>,
    %convert_element_type3A = arith.sitofp %scan3A_21#8 : vector<16xi32> to vector<16xf32>
    %swap3A_24 = arith.constant 128 : index
    %swap3A_25 = tpu.vector_load %arg9[%swap3A_24] {strides = array<i32>} : memref<256xf32, #tpu.memory_space<vmem>>, vector<16xf32>,
    tpu.vector_store %arg9[%swap3A_24], %convert_element_type3A {strides = array<i32>} : memref<256xf32, #tpu.memory_space<vmem>>, vector<16xf32>,
    %swap3A_26 = arith.constant 16 : index
    %swap3A_27 = tpu.vector_load %arg9[%swap3A_26] {strides = array<i32>} : memref<256xf32, #tpu.memory_space<vmem>>, vector<16xf32>,
    tpu.vector_store %arg9[%swap3A_26], %scan3A_21#1 {strides = array<i32>} : memref<256xf32, #tpu.memory_space<vmem>>, vector<16xf32>,
    %convert_element_type3A_28 = arith.sitofp %scan3A_21#9 : vector<16xi32> to vector<16xf32>
    %swap3A_29 = arith.constant 144 : index
    %swap3A_30 = tpu.vector_load %arg9[%swap3A_29] {strides = array<i32>} : memref<256xf32, #tpu.memory_space<vmem>>, vector<16xf32>,
    tpu.vector_store %arg9[%swap3A_29], %convert_element_type3A_28 {strides = array<i32>} : memref<256xf32, #tpu.memory_space<vmem>>, vector<16xf32>,
    %swap3A_31 = arith.constant 32 : index
    %swap3A_32 = tpu.vector_load %arg9[%swap3A_31] {strides = array<i32>} : memref<256xf32, #tpu.memory_space<vmem>>, vector<16xf32>,
    tpu.vector_store %arg9[%swap3A_31], %scan3A_21#2 {strides = array<i32>} : memref<256xf32, #tpu.memory_space<vmem>>, vector<16xf32>,
    %convert_element_type3A_33 = arith.sitofp %scan3A_21#10 : vector<16xi32> to vector<16xf32>
    %swap3A_34 = arith.constant 160 : index
    %swap3A_35 = tpu.vector_load %arg9[%swap3A_34] {strides = array<i32>} : memref<256xf32, #tpu.memory_space<vmem>>, vector<16xf32>,
    tpu.vector_store %arg9[%swap3A_34], %convert_element_type3A_33 {strides = array<i32>} : memref<256xf32, #tpu.memory_space<vmem>>, vector<16xf32>,
    %swap3A_36 = arith.constant 48 : index
    %swap3A_37 = tpu.vector_load %arg9[%swap3A_36] {strides = array<i32>} : memref<256xf32, #tpu.memory_space<vmem>>, vector<16xf32>,
    tpu.vector_store %arg9[%swap3A_36], %scan3A_21#3 {strides = array<i32>} : memref<256xf32, #tpu.memory_space<vmem>>, vector<16xf32>,
    %convert_element_type3A_38 = arith.sitofp %scan3A_21#11 : vector<16xi32> to vector<16xf32>
    %swap3A_39 = arith.constant 176 : index
    %swap3A_40 = tpu.vector_load %arg9[%swap3A_39] {strides = array<i32>} : memref<256xf32, #tpu.memory_space<vmem>>, vector<16xf32>,
    tpu.vector_store %arg9[%swap3A_39], %convert_element_type3A_38 {strides = array<i32>} : memref<256xf32, #tpu.memory_space<vmem>>, vector<16xf32>,
    %swap3A_41 = arith.constant 64 : index
    %swap3A_42 = tpu.vector_load %arg9[%swap3A_41] {strides = array<i32>} : memref<256xf32, #tpu.memory_space<vmem>>, vector<16xf32>,
    tpu.vector_store %arg9[%swap3A_41], %scan3A_21#4 {strides = array<i32>} : memref<256xf32, #tpu.memory_space<vmem>>, vector<16xf32>,
    %convert_element_type3A_43 = arith.sitofp %scan3A_21#12 : vector<16xi32> to vector<16xf32>
    %swap3A_44 = arith.constant 192 : index
    %swap3A_45 = tpu.vector_load %arg9[%swap3A_44] {strides = array<i32>} : memref<256xf32, #tpu.memory_space<vmem>>, vector<16xf32>,
    tpu.vector_store %arg9[%swap3A_44], %convert_element_type3A_43 {strides = array<i32>} : memref<256xf32, #tpu.memory_space<vmem>>, vector<16xf32>,
    %swap3A_46 = arith.constant 80 : index
    %swap3A_47 = tpu.vector_load %arg9[%swap3A_46] {strides = array<i32>} : memref<256xf32, #tpu.memory_space<vmem>>, vector<16xf32>,
    tpu.vector_store %arg9[%swap3A_46], %scan3A_21#5 {strides = array<i32>} : memref<256xf32, #tpu.memory_space<vmem>>, vector<16xf32>,
    %convert_element_type3A_48 = arith.sitofp %scan3A_21#13 : vector<16xi32> to vector<16xf32>
    %swap3A_49 = arith.constant 208 : index
    %swap3A_50 = tpu.vector_load %arg9[%swap3A_49] {strides = array<i32>} : memref<256xf32, #tpu.memory_space<vmem>>, vector<16xf32>,
    tpu.vector_store %arg9[%swap3A_49], %convert_element_type3A_48 {strides = array<i32>} : memref<256xf32, #tpu.memory_space<vmem>>, vector<16xf32>,
    %swap3A_51 = arith.constant 96 : index
    %swap3A_52 = tpu.vector_load %arg9[%swap3A_51] {strides = array<i32>} : memref<256xf32, #tpu.memory_space<vmem>>, vector<16xf32>,
    tpu.vector_store %arg9[%swap3A_51], %scan3A_21#6 {strides = array<i32>} : memref<256xf32, #tpu.memory_space<vmem>>, vector<16xf32>,
    %convert_element_type3A_53 = arith.sitofp %scan3A_21#14 : vector<16xi32> to vector<16xf32>
    %swap3A_54 = arith.constant 224 : index
    %swap3A_55 = tpu.vector_load %arg9[%swap3A_54] {strides = array<i32>} : memref<256xf32, #tpu.memory_space<vmem>>, vector<16xf32>,
    tpu.vector_store %arg9[%swap3A_54], %convert_element_type3A_53 {strides = array<i32>} : memref<256xf32, #tpu.memory_space<vmem>>, vector<16xf32>,
    %swap3A_56 = arith.constant 112 : index
    %swap3A_57 = tpu.vector_load %arg9[%swap3A_56] {strides = array<i32>} : memref<256xf32, #tpu.memory_space<vmem>>, vector<16xf32>,
    tpu.vector_store %arg9[%swap3A_56], %scan3A_21#7 {strides = array<i32>} : memref<256xf32, #tpu.memory_space<vmem>>, vector<16xf32>,
    %convert_element_type3A_58 = arith.sitofp %scan3A_21#15 : vector<16xi32> to vector<16xf32>
    %swap3A_59 = arith.constant 240 : index
    %swap3A_60 = tpu.vector_load %arg9[%swap3A_59] {strides = array<i32>} : memref<256xf32, #tpu.memory_space<vmem>>, vector<16xf32>,
    tpu.vector_store %arg9[%swap3A_59], %convert_element_type3A_58 {strides = array<i32>} : memref<256xf32, #tpu.memory_space<vmem>>, vector<16xf32>,
    %mul3A_61 = arith.constant 256 : i32
    %mul3A_62 = arith.muli %arg1, %mul3A_61 : i32
    "tpu.region"() ({
      %run_scoped3A = tpu.sem_alloc : memref<!tpu.dma_semaphore, #tpu.memory_space<semaphore_mem>>
      %dma_start3A_66 = tpu.memref_slice %arg12[%mul3A_62] : memref<4096xf32, #tpu.memory_space<vmem_shared>> -> memref<256xf32, #tpu.memory_space<vmem_shared>>
      %dma_start3A_67 = tpu.memref_slice %arg12[%mul3A_62] : memref<4096xf32, #tpu.memory_space<vmem_shared>> -> memref<256xf32, #tpu.memory_space<vmem_shared>>
      tpu.enqueue_dma source(%arg9 : memref<256xf32, #tpu.memory_space<vmem>>) target(%dma_start3A_67 : memref<256xf32, #tpu.memory_space<vmem_shared>>) target_semaphore(%run_scoped3A : memref<!tpu.dma_semaphore, #tpu.memory_space<semaphore_mem>>)
      %dma_wait3A_68 = tpu.memref_slice %arg12[%mul3A_62] : memref<4096xf32, #tpu.memory_space<vmem_shared>> -> memref<256xf32, #tpu.memory_space<vmem_shared>>
      %dma_wait3A_69 = tpu.memref_slice %arg12[%mul3A_62] : memref<4096xf32, #tpu.memory_space<vmem_shared>> -> memref<256xf32, #tpu.memory_space<vmem_shared>>
      tpu.wait_dma2 semaphore(%run_scoped3A : memref<!tpu.dma_semaphore, #tpu.memory_space<semaphore_mem>>) src(%arg9 : memref<256xf32, #tpu.memory_space<vmem>>) dst(%dma_wait3A_69 : memref<256xf32, #tpu.memory_space<vmem_shared>>)
      tpu.yield
    }) : () -> ()
    %barrier3A = arith.constant 0 : index
    tpu.barrier barrier_id(%barrier3A)
    %eq3A = arith.constant 0 : i32
    %eq3A_63 = arith.cmpi eq, %arg1, %eq3A : i32
    %convert_element_type3A_64 = arith.extui %eq3A_63 : i1 to i32
    %cond3A = arith.constant 0 : i32
    %cond3A_65 = arith.cmpi ne, %convert_element_type3A_64, %cond3A : i32
    scf.if %cond3A_65 {
      "tpu.region"() ({
        %run_scoped3A = tpu.sem_alloc : memref<!tpu.dma_semaphore, #tpu.memory_space<semaphore_mem>>
        tpu.enqueue_dma source(%arg12 : memref<4096xf32, #tpu.memory_space<vmem_shared>>) target(%arg10 : memref<4096xf32, #tpu.memory_space<vmem>>) target_semaphore(%run_scoped3A : memref<!tpu.dma_semaphore, #tpu.memory_space<semaphore_mem>>)
        tpu.wait_dma2 semaphore(%run_scoped3A : memref<!tpu.dma_semaphore, #tpu.memory_space<semaphore_mem>>) src(%arg12 : memref<4096xf32, #tpu.memory_space<vmem_shared>>) dst(%arg10 : memref<4096xf32, #tpu.memory_space<vmem>>)
        tpu.yield
      }) : () -> ()
      %get3A = arith.constant 0 : index
      %get3A_66 = tpu.vector_load %arg10[%get3A] {strides = array<i32>} : memref<4096xf32, #tpu.memory_space<vmem>>, vector<16xf32>,
      %get3A_67 = arith.constant 16 : index
      %get3A_68 = tpu.vector_load %arg10[%get3A_67] {strides = array<i32>} : memref<4096xf32, #tpu.memory_space<vmem>>, vector<16xf32>,
      %get3A_69 = arith.constant 32 : index
      %get3A_70 = tpu.vector_load %arg10[%get3A_69] {strides = array<i32>} : memref<4096xf32, #tpu.memory_space<vmem>>, vector<16xf32>,
      %get3A_71 = arith.constant 48 : index
      %get3A_72 = tpu.vector_load %arg10[%get3A_71] {strides = array<i32>} : memref<4096xf32, #tpu.memory_space<vmem>>, vector<16xf32>,
      %get3A_73 = arith.constant 64 : index
      %get3A_74 = tpu.vector_load %arg10[%get3A_73] {strides = array<i32>} : memref<4096xf32, #tpu.memory_space<vmem>>, vector<16xf32>,
      %get3A_75 = arith.constant 80 : index
      %get3A_76 = tpu.vector_load %arg10[%get3A_75] {strides = array<i32>} : memref<4096xf32, #tpu.memory_space<vmem>>, vector<16xf32>,
      %get3A_77 = arith.constant 96 : index
      %get3A_78 = tpu.vector_load %arg10[%get3A_77] {strides = array<i32>} : memref<4096xf32, #tpu.memory_space<vmem>>, vector<16xf32>,
      %get3A_79 = arith.constant 112 : index
      %get3A_80 = tpu.vector_load %arg10[%get3A_79] {strides = array<i32>} : memref<4096xf32, #tpu.memory_space<vmem>>, vector<16xf32>,
      %get3A_81 = arith.constant 128 : index
      %get3A_82 = tpu.vector_load %arg10[%get3A_81] {strides = array<i32>} : memref<4096xf32, #tpu.memory_space<vmem>>, vector<16xf32>,
      %get3A_83 = arith.constant 144 : index
      %get3A_84 = tpu.vector_load %arg10[%get3A_83] {strides = array<i32>} : memref<4096xf32, #tpu.memory_space<vmem>>, vector<16xf32>,
      %get3A_85 = arith.constant 160 : index
      %get3A_86 = tpu.vector_load %arg10[%get3A_85] {strides = array<i32>} : memref<4096xf32, #tpu.memory_space<vmem>>, vector<16xf32>,
      %get3A_87 = arith.constant 176 : index
      %get3A_88 = tpu.vector_load %arg10[%get3A_87] {strides = array<i32>} : memref<4096xf32, #tpu.memory_space<vmem>>, vector<16xf32>,
      %get3A_89 = arith.constant 192 : index
      %get3A_90 = tpu.vector_load %arg10[%get3A_89] {strides = array<i32>} : memref<4096xf32, #tpu.memory_space<vmem>>, vector<16xf32>,
      %get3A_91 = arith.constant 208 : index
      %get3A_92 = tpu.vector_load %arg10[%get3A_91] {strides = array<i32>} : memref<4096xf32, #tpu.memory_space<vmem>>, vector<16xf32>,
      %get3A_93 = arith.constant 224 : index
      %get3A_94 = tpu.vector_load %arg10[%get3A_93] {strides = array<i32>} : memref<4096xf32, #tpu.memory_space<vmem>>, vector<16xf32>,
      %get3A_95 = arith.constant 240 : index
      %get3A_96 = tpu.vector_load %arg10[%get3A_95] {strides = array<i32>} : memref<4096xf32, #tpu.memory_space<vmem>>, vector<16xf32>,
      %scan3A_97 = arith.constant 1 : i32
      %scan3A_98 = arith.constant 15 : i32
      %scan3A_99 = arith.addi %scan3A_97, %scan3A_98 : i32
      %scan3A_100 = arith.constant 1 : i32
      %scan3A_101:16 = scf.for %scan3A_209 = %scan3A_97 to %scan3A_99 step %scan3A_100 iter_args(%scan3A_210 = %get3A_66, %scan3A_211 = %get3A_68, %scan3A_212 = %get3A_70, %scan3A_213 = %get3A_72, %scan3A_214 = %get3A_74, %scan3A_215 = %get3A_76, %scan3A_216 = %get3A_78, %scan3A_217 = %get3A_80, %scan3A_218 = %get3A_82, %scan3A_219 = %get3A_84, %scan3A_220 = %get3A_86, %scan3A_221 = %get3A_88, %scan3A_222 = %get3A_90, %scan3A_223 = %get3A_92, %scan3A_224 = %get3A_94, %scan3A_225 = %get3A_96) -> (vector<16xf32>, vector<16xf32>, vector<16xf32>, vector<16xf32>, vector<16xf32>, vector<16xf32>, vector<16xf32>, vector<16xf32>, vector<16xf32>, vector<16xf32>, vector<16xf32>, vector<16xf32>, vector<16xf32>, vector<16xf32>, vector<16xf32>, vector<16xf32>)  : i32 {
        %mul3A_226 = arith.constant 256 : i32
        %mul3A_227 = arith.muli %scan3A_209, %mul3A_226 : i32
        %add3A_228 = arith.constant 0 : i32
        %add3A_229 = arith.addi %mul3A_227, %add3A_228 : i32
        %get3A_230 = arith.index_cast %add3A_229 : i32 to index
        %get3A_231 = tpu.vector_load %arg10[%get3A_230] {strides = array<i32>} : memref<4096xf32, #tpu.memory_space<vmem>>, vector<16xf32>,
        %add3A_232 = arith.addf %scan3A_210, %get3A_231 : vector<16xf32>
        %add3A_233 = arith.constant 16 : i32
        %add3A_234 = arith.addi %mul3A_227, %add3A_233 : i32
        %get3A_235 = arith.index_cast %add3A_234 : i32 to index
        %get3A_236 = tpu.vector_load %arg10[%get3A_235] {strides = array<i32>} : memref<4096xf32, #tpu.memory_space<vmem>>, vector<16xf32>,
        %add3A_237 = arith.addf %scan3A_211, %get3A_236 : vector<16xf32>
        %add3A_238 = arith.constant 32 : i32
        %add3A_239 = arith.addi %mul3A_227, %add3A_238 : i32
        %get3A_240 = arith.index_cast %add3A_239 : i32 to index
        %get3A_241 = tpu.vector_load %arg10[%get3A_240] {strides = array<i32>} : memref<4096xf32, #tpu.memory_space<vmem>>, vector<16xf32>,
        %add3A_242 = arith.addf %scan3A_212, %get3A_241 : vector<16xf32>
        %add3A_243 = arith.constant 48 : i32
        %add3A_244 = arith.addi %mul3A_227, %add3A_243 : i32
        %get3A_245 = arith.index_cast %add3A_244 : i32 to index
        %get3A_246 = tpu.vector_load %arg10[%get3A_245] {strides = array<i32>} : memref<4096xf32, #tpu.memory_space<vmem>>, vector<16xf32>,
        %add3A_247 = arith.addf %scan3A_213, %get3A_246 : vector<16xf32>
        %add3A_248 = arith.constant 64 : i32
        %add3A_249 = arith.addi %mul3A_227, %add3A_248 : i32
        %get3A_250 = arith.index_cast %add3A_249 : i32 to index
        %get3A_251 = tpu.vector_load %arg10[%get3A_250] {strides = array<i32>} : memref<4096xf32, #tpu.memory_space<vmem>>, vector<16xf32>,
        %add3A_252 = arith.addf %scan3A_214, %get3A_251 : vector<16xf32>
        %add3A_253 = arith.constant 80 : i32
        %add3A_254 = arith.addi %mul3A_227, %add3A_253 : i32
        %get3A_255 = arith.index_cast %add3A_254 : i32 to index
        %get3A_256 = tpu.vector_load %arg10[%get3A_255] {strides = array<i32>} : memref<4096xf32, #tpu.memory_space<vmem>>, vector<16xf32>,
        %add3A_257 = arith.addf %scan3A_215, %get3A_256 : vector<16xf32>
        %add3A_258 = arith.constant 96 : i32
        %add3A_259 = arith.addi %mul3A_227, %add3A_258 : i32
        %get3A_260 = arith.index_cast %add3A_259 : i32 to index
        %get3A_261 = tpu.vector_load %arg10[%get3A_260] {strides = array<i32>} : memref<4096xf32, #tpu.memory_space<vmem>>, vector<16xf32>,
        %add3A_262 = arith.addf %scan3A_216, %get3A_261 : vector<16xf32>
        %add3A_263 = arith.constant 112 : i32
        %add3A_264 = arith.addi %mul3A_227, %add3A_263 : i32
        %get3A_265 = arith.index_cast %add3A_264 : i32 to index
        %get3A_266 = tpu.vector_load %arg10[%get3A_265] {strides = array<i32>} : memref<4096xf32, #tpu.memory_space<vmem>>, vector<16xf32>,
        %add3A_267 = arith.addf %scan3A_217, %get3A_266 : vector<16xf32>
        %add3A_268 = arith.constant 128 : i32
        %add3A_269 = arith.addi %mul3A_227, %add3A_268 : i32
        %get3A_270 = arith.index_cast %add3A_269 : i32 to index
        %get3A_271 = tpu.vector_load %arg10[%get3A_270] {strides = array<i32>} : memref<4096xf32, #tpu.memory_space<vmem>>, vector<16xf32>,
        %add3A_272 = arith.addf %scan3A_218, %get3A_271 : vector<16xf32>
        %add3A_273 = arith.constant 144 : i32
        %add3A_274 = arith.addi %mul3A_227, %add3A_273 : i32
        %get3A_275 = arith.index_cast %add3A_274 : i32 to index
        %get3A_276 = tpu.vector_load %arg10[%get3A_275] {strides = array<i32>} : memref<4096xf32, #tpu.memory_space<vmem>>, vector<16xf32>,
        %add3A_277 = arith.addf %scan3A_219, %get3A_276 : vector<16xf32>
        %add3A_278 = arith.constant 160 : i32
        %add3A_279 = arith.addi %mul3A_227, %add3A_278 : i32
        %get3A_280 = arith.index_cast %add3A_279 : i32 to index
        %get3A_281 = tpu.vector_load %arg10[%get3A_280] {strides = array<i32>} : memref<4096xf32, #tpu.memory_space<vmem>>, vector<16xf32>,
        %add3A_282 = arith.addf %scan3A_220, %get3A_281 : vector<16xf32>
        %add3A_283 = arith.constant 176 : i32
        %add3A_284 = arith.addi %mul3A_227, %add3A_283 : i32
        %get3A_285 = arith.index_cast %add3A_284 : i32 to index
        %get3A_286 = tpu.vector_load %arg10[%get3A_285] {strides = array<i32>} : memref<4096xf32, #tpu.memory_space<vmem>>, vector<16xf32>,
        %add3A_287 = arith.addf %scan3A_221, %get3A_286 : vector<16xf32>
        %add3A_288 = arith.constant 192 : i32
        %add3A_289 = arith.addi %mul3A_227, %add3A_288 : i32
        %get3A_290 = arith.index_cast %add3A_289 : i32 to index
        %get3A_291 = tpu.vector_load %arg10[%get3A_290] {strides = array<i32>} : memref<4096xf32, #tpu.memory_space<vmem>>, vector<16xf32>,
        %add3A_292 = arith.addf %scan3A_222, %get3A_291 : vector<16xf32>
        %add3A_293 = arith.constant 208 : i32
        %add3A_294 = arith.addi %mul3A_227, %add3A_293 : i32
        %get3A_295 = arith.index_cast %add3A_294 : i32 to index
        %get3A_296 = tpu.vector_load %arg10[%get3A_295] {strides = array<i32>} : memref<4096xf32, #tpu.memory_space<vmem>>, vector<16xf32>,
        %add3A_297 = arith.addf %scan3A_223, %get3A_296 : vector<16xf32>
        %add3A_298 = arith.constant 224 : i32
        %add3A_299 = arith.addi %mul3A_227, %add3A_298 : i32
        %get3A_300 = arith.index_cast %add3A_299 : i32 to index
        %get3A_301 = tpu.vector_load %arg10[%get3A_300] {strides = array<i32>} : memref<4096xf32, #tpu.memory_space<vmem>>, vector<16xf32>,
        %add3A_302 = arith.addf %scan3A_224, %get3A_301 : vector<16xf32>
        %add3A_303 = arith.constant 240 : i32
        %add3A_304 = arith.addi %mul3A_227, %add3A_303 : i32
        %get3A_305 = arith.index_cast %add3A_304 : i32 to index
        %get3A_306 = tpu.vector_load %arg10[%get3A_305] {strides = array<i32>} : memref<4096xf32, #tpu.memory_space<vmem>>, vector<16xf32>,
        %add3A_307 = arith.addf %scan3A_225, %get3A_306 : vector<16xf32>
        scf.yield %add3A_232, %add3A_237, %add3A_242, %add3A_247, %add3A_252, %add3A_257, %add3A_262, %add3A_267, %add3A_272, %add3A_277, %add3A_282, %add3A_287, %add3A_292, %add3A_297, %add3A_302, %add3A_307 : vector<16xf32>, vector<16xf32>, vector<16xf32>, vector<16xf32>, vector<16xf32>, vector<16xf32>, vector<16xf32>, vector<16xf32>, vector<16xf32>, vector<16xf32>, vector<16xf32>, vector<16xf32>, vector<16xf32>, vector<16xf32>, vector<16xf32>, vector<16xf32>
      }
      %scan3A_102 = arith.constant 15 : i32
      %reduce_sum3A = arith.constant true
      %reduce_sum3A_103 = vector.broadcast %reduce_sum3A : i1 to vector<16xi1>
      %reduce_sum3A_104 = tpu.scan <sum>, %scan3A_101#8 masked %reduce_sum3A_103 : vector<16xf32>, vector<16xi1> -> vector<16xf32>
      %reduce_sum3A_105 = vector.extract %reduce_sum3A_104[15] : f32 from vector<16xf32>
      %mul3A_106 = arith.constant 6.250000e-02 : f32
      %mul3A_107 = arith.mulf %reduce_sum3A_105, %mul3A_106 : f32
      %broadcast_in_dim3A_108 = vector.broadcast %mul3A_107 : f32 to vector<16xf32>
      %gt3A = arith.constant 0.000000e+00 : f32
      %gt3A_109 = vector.broadcast %gt3A : f32 to vector<16xf32>
      %gt3A_110 = arith.cmpf ogt, %broadcast_in_dim3A_108, %gt3A_109 : vector<16xf32>
      %div3A = arith.divf %scan3A_101#0, %broadcast_in_dim3A_108 : vector<16xf32>
      %select_n3A = arith.select %gt3A_110, %div3A, %broadcast_in_dim3A_13 : vector<16xi1>, vector<16xf32>
      %add3A = arith.addf %broadcast_in_dim3A_13, %select_n3A : vector<16xf32>
      %reduce_sum3A_111 = arith.constant true
      %reduce_sum3A_112 = vector.broadcast %reduce_sum3A_111 : i1 to vector<16xi1>
      %reduce_sum3A_113 = tpu.scan <sum>, %scan3A_101#9 masked %reduce_sum3A_112 : vector<16xf32>, vector<16xi1> -> vector<16xf32>
      %reduce_sum3A_114 = vector.extract %reduce_sum3A_113[15] : f32 from vector<16xf32>
      %mul3A_115 = arith.constant 6.250000e-02 : f32
      %mul3A_116 = arith.mulf %reduce_sum3A_114, %mul3A_115 : f32
      %broadcast_in_dim3A_117 = vector.broadcast %mul3A_116 : f32 to vector<16xf32>
      %gt3A_118 = arith.constant 0.000000e+00 : f32
      %gt3A_119 = vector.broadcast %gt3A_118 : f32 to vector<16xf32>
      %gt3A_120 = arith.cmpf ogt, %broadcast_in_dim3A_117, %gt3A_119 : vector<16xf32>
      %div3A_121 = arith.divf %scan3A_101#1, %broadcast_in_dim3A_117 : vector<16xf32>
      %select_n3A_122 = arith.select %gt3A_120, %div3A_121, %broadcast_in_dim3A_13 : vector<16xi1>, vector<16xf32>
      %add3A_123 = arith.addf %add3A, %select_n3A_122 : vector<16xf32>
      %reduce_sum3A_124 = arith.constant true
      %reduce_sum3A_125 = vector.broadcast %reduce_sum3A_124 : i1 to vector<16xi1>
      %reduce_sum3A_126 = tpu.scan <sum>, %scan3A_101#10 masked %reduce_sum3A_125 : vector<16xf32>, vector<16xi1> -> vector<16xf32>
      %reduce_sum3A_127 = vector.extract %reduce_sum3A_126[15] : f32 from vector<16xf32>
      %mul3A_128 = arith.constant 6.250000e-02 : f32
      %mul3A_129 = arith.mulf %reduce_sum3A_127, %mul3A_128 : f32
      %broadcast_in_dim3A_130 = vector.broadcast %mul3A_129 : f32 to vector<16xf32>
      %gt3A_131 = arith.constant 0.000000e+00 : f32
      %gt3A_132 = vector.broadcast %gt3A_131 : f32 to vector<16xf32>
      %gt3A_133 = arith.cmpf ogt, %broadcast_in_dim3A_130, %gt3A_132 : vector<16xf32>
      %div3A_134 = arith.divf %scan3A_101#2, %broadcast_in_dim3A_130 : vector<16xf32>
      %select_n3A_135 = arith.select %gt3A_133, %div3A_134, %broadcast_in_dim3A_13 : vector<16xi1>, vector<16xf32>
      %add3A_136 = arith.addf %add3A_123, %select_n3A_135 : vector<16xf32>
      %reduce_sum3A_137 = arith.constant true
      %reduce_sum3A_138 = vector.broadcast %reduce_sum3A_137 : i1 to vector<16xi1>
      %reduce_sum3A_139 = tpu.scan <sum>, %scan3A_101#11 masked %reduce_sum3A_138 : vector<16xf32>, vector<16xi1> -> vector<16xf32>
      %reduce_sum3A_140 = vector.extract %reduce_sum3A_139[15] : f32 from vector<16xf32>
      %mul3A_141 = arith.constant 6.250000e-02 : f32
      %mul3A_142 = arith.mulf %reduce_sum3A_140, %mul3A_141 : f32
      %broadcast_in_dim3A_143 = vector.broadcast %mul3A_142 : f32 to vector<16xf32>
      %gt3A_144 = arith.constant 0.000000e+00 : f32
      %gt3A_145 = vector.broadcast %gt3A_144 : f32 to vector<16xf32>
      %gt3A_146 = arith.cmpf ogt, %broadcast_in_dim3A_143, %gt3A_145 : vector<16xf32>
      %div3A_147 = arith.divf %scan3A_101#3, %broadcast_in_dim3A_143 : vector<16xf32>
      %select_n3A_148 = arith.select %gt3A_146, %div3A_147, %broadcast_in_dim3A_13 : vector<16xi1>, vector<16xf32>
      %add3A_149 = arith.addf %add3A_136, %select_n3A_148 : vector<16xf32>
      %reduce_sum3A_150 = arith.constant true
      %reduce_sum3A_151 = vector.broadcast %reduce_sum3A_150 : i1 to vector<16xi1>
      %reduce_sum3A_152 = tpu.scan <sum>, %scan3A_101#12 masked %reduce_sum3A_151 : vector<16xf32>, vector<16xi1> -> vector<16xf32>
      %reduce_sum3A_153 = vector.extract %reduce_sum3A_152[15] : f32 from vector<16xf32>
      %mul3A_154 = arith.constant 6.250000e-02 : f32
      %mul3A_155 = arith.mulf %reduce_sum3A_153, %mul3A_154 : f32
      %broadcast_in_dim3A_156 = vector.broadcast %mul3A_155 : f32 to vector<16xf32>
      %gt3A_157 = arith.constant 0.000000e+00 : f32
      %gt3A_158 = vector.broadcast %gt3A_157 : f32 to vector<16xf32>
      %gt3A_159 = arith.cmpf ogt, %broadcast_in_dim3A_156, %gt3A_158 : vector<16xf32>
      %div3A_160 = arith.divf %scan3A_101#4, %broadcast_in_dim3A_156 : vector<16xf32>
      %select_n3A_161 = arith.select %gt3A_159, %div3A_160, %broadcast_in_dim3A_13 : vector<16xi1>, vector<16xf32>
      %add3A_162 = arith.addf %add3A_149, %select_n3A_161 : vector<16xf32>
      %reduce_sum3A_163 = arith.constant true
      %reduce_sum3A_164 = vector.broadcast %reduce_sum3A_163 : i1 to vector<16xi1>
      %reduce_sum3A_165 = tpu.scan <sum>, %scan3A_101#13 masked %reduce_sum3A_164 : vector<16xf32>, vector<16xi1> -> vector<16xf32>
      %reduce_sum3A_166 = vector.extract %reduce_sum3A_165[15] : f32 from vector<16xf32>
      %mul3A_167 = arith.constant 6.250000e-02 : f32
      %mul3A_168 = arith.mulf %reduce_sum3A_166, %mul3A_167 : f32
      %broadcast_in_dim3A_169 = vector.broadcast %mul3A_168 : f32 to vector<16xf32>
      %gt3A_170 = arith.constant 0.000000e+00 : f32
      %gt3A_171 = vector.broadcast %gt3A_170 : f32 to vector<16xf32>
      %gt3A_172 = arith.cmpf ogt, %broadcast_in_dim3A_169, %gt3A_171 : vector<16xf32>
      %div3A_173 = arith.divf %scan3A_101#5, %broadcast_in_dim3A_169 : vector<16xf32>
      %select_n3A_174 = arith.select %gt3A_172, %div3A_173, %broadcast_in_dim3A_13 : vector<16xi1>, vector<16xf32>
      %add3A_175 = arith.addf %add3A_162, %select_n3A_174 : vector<16xf32>
      %reduce_sum3A_176 = arith.constant true
      %reduce_sum3A_177 = vector.broadcast %reduce_sum3A_176 : i1 to vector<16xi1>
      %reduce_sum3A_178 = tpu.scan <sum>, %scan3A_101#14 masked %reduce_sum3A_177 : vector<16xf32>, vector<16xi1> -> vector<16xf32>
      %reduce_sum3A_179 = vector.extract %reduce_sum3A_178[15] : f32 from vector<16xf32>
      %mul3A_180 = arith.constant 6.250000e-02 : f32
      %mul3A_181 = arith.mulf %reduce_sum3A_179, %mul3A_180 : f32
      %broadcast_in_dim3A_182 = vector.broadcast %mul3A_181 : f32 to vector<16xf32>
      %gt3A_183 = arith.constant 0.000000e+00 : f32
      %gt3A_184 = vector.broadcast %gt3A_183 : f32 to vector<16xf32>
      %gt3A_185 = arith.cmpf ogt, %broadcast_in_dim3A_182, %gt3A_184 : vector<16xf32>
      %div3A_186 = arith.divf %scan3A_101#6, %broadcast_in_dim3A_182 : vector<16xf32>
      %select_n3A_187 = arith.select %gt3A_185, %div3A_186, %broadcast_in_dim3A_13 : vector<16xi1>, vector<16xf32>
      %add3A_188 = arith.addf %add3A_175, %select_n3A_187 : vector<16xf32>
      %reduce_sum3A_189 = arith.constant true
      %reduce_sum3A_190 = vector.broadcast %reduce_sum3A_189 : i1 to vector<16xi1>
      %reduce_sum3A_191 = tpu.scan <sum>, %scan3A_101#15 masked %reduce_sum3A_190 : vector<16xf32>, vector<16xi1> -> vector<16xf32>
      %reduce_sum3A_192 = vector.extract %reduce_sum3A_191[15] : f32 from vector<16xf32>
      %mul3A_193 = arith.constant 6.250000e-02 : f32
      %mul3A_194 = arith.mulf %reduce_sum3A_192, %mul3A_193 : f32
      %broadcast_in_dim3A_195 = vector.broadcast %mul3A_194 : f32 to vector<16xf32>
      %gt3A_196 = arith.constant 0.000000e+00 : f32
      %gt3A_197 = vector.broadcast %gt3A_196 : f32 to vector<16xf32>
      %gt3A_198 = arith.cmpf ogt, %broadcast_in_dim3A_195, %gt3A_197 : vector<16xf32>
      %div3A_199 = arith.divf %scan3A_101#7, %broadcast_in_dim3A_195 : vector<16xf32>
      %select_n3A_200 = arith.select %gt3A_198, %div3A_199, %broadcast_in_dim3A_13 : vector<16xi1>, vector<16xf32>
      %add3A_201 = arith.addf %add3A_188, %select_n3A_200 : vector<16xf32>
      %reduce_sum3A_202 = arith.constant true
      %reduce_sum3A_203 = vector.broadcast %reduce_sum3A_202 : i1 to vector<16xi1>
      %reduce_sum3A_204 = tpu.scan <sum>, %add3A_201 masked %reduce_sum3A_203 : vector<16xf32>, vector<16xi1> -> vector<16xf32>
      %reduce_sum3A_205 = vector.extract %reduce_sum3A_204[15] : f32 from vector<16xf32>
      %broadcast_in_dim3A_206 = vector.broadcast %reduce_sum3A_205 : f32 to vector<16xf32>
      %swap3A_207 = arith.constant 0 : index
      %swap3A_208 = tpu.vector_load %arg11[%swap3A_207] {strides = array<i32>} : memref<16xf32, #tpu.memory_space<vmem>>, vector<16xf32>,
      tpu.vector_store %arg11[%swap3A_207], %broadcast_in_dim3A_206 {strides = array<i32>} : memref<16xf32, #tpu.memory_space<vmem>>, vector<16xf32>,
      "tpu.region"() ({
        %run_scoped3A = tpu.sem_alloc : memref<!tpu.dma_semaphore, #tpu.memory_space<semaphore_mem>>
        tpu.enqueue_dma source(%arg11 : memref<16xf32, #tpu.memory_space<vmem>>) target(%arg5 : memref<16xf32, #tpu.memory_space<hbm>>) target_semaphore(%run_scoped3A : memref<!tpu.dma_semaphore, #tpu.memory_space<semaphore_mem>>)
        tpu.wait_dma2 semaphore(%run_scoped3A : memref<!tpu.dma_semaphore, #tpu.memory_space<semaphore_mem>>) src(%arg11 : memref<16xf32, #tpu.memory_space<vmem>>) dst(%arg5 : memref<16xf32, #tpu.memory_space<hbm>>)
        tpu.yield
      }) : () -> ()
    } else {
    }
    return
  }
}

</mosaic_0001>

<sc_bundles>
// kernel: kernel.3.cloned.1.call-start
scs
__scs_entry_jumppad:
0x0: {  	(pc) =	sbr.rel $0x88, $3  }
0x1: {  	(tag) =	ssettag $0x0;
	lr =	simm.s32 $0x1  }
0x2: {  	[smem:$0x3F9E] =	sst lr;
	_ =	strace $0xD0000000  }
0x3: {  	_ = 	snop  }
0x4: {  	_ = 	snop  }
0x5: {  	_ = 	snop  }
0x6: {  	_ = 	snop  }
0x7: {  	_ = 	snop  }
__scs_overlays_trampoline_lowered:
0x8: {  	[smem:$0x3FAD] =	sst s0  }
0x9: {  	[smem:$0x3FAE] =	sst s1  }
0xa: {  	[smem:$0x3FAF] =	sst s2  }
0xb: {  	[smem:$0x3FB0] =	sst s3  }
0xc: {  	[smem:$0x3FB1] =	sst s4  }
0xd: {  	[smem:$0x3FB2] =	sst s5  }
0xe: {  	[smem:$0x3FB3] =	sst s6  }
0xf: {  	[smem:$0x3FB4] =	sst s7  }
0x10: {  	[smem:$0x3FB5] =	sst s8  }
0x11: {  	[smem:$0x3FB6] =	sst s9;
	s0 =	simm.s32 @!p0 $0x0  }
0x12: {  	s1 =	sld [smem:$0x3F9C];
	s0 =	simm.s32 @p0 $0x1  }
0x13: {  	[smem:$0x3FB7] =	sst s0;
	s0 =	simm.s32 @!p1 $0x0  }
0x14: {  	s2 =	sld [smem:$0x3F9B];
	s0 =	simm.s32 @p1 $0x1  }
0x15: {  	[smem:$0x3FB8] =	sst s0;
	s0 =	simm.s32 @!p2 $0x0  }
0x16: {  	s3 =	sld [smem:$0x3FDB];
	s0 =	simm.s32 @p2 $0x1  }
0x17: {  	s4 =	simm.s32 $0x1BF5;
	[smem:$0x3FBA] =	sst s0  }
0x18: {  	s0 =	sld [smem:$0x3F9D];
	_ =	swait.ge [sflag:s4], $0x0  }
0x19: {  	s7 =	sld [smem:$0x3F9E]  }
0x1a: {  	s8 =	sadd.s32 $0xFFFFE003, lr  }
0x1b: {  	s9 =	sadd.s32 $0xFFFFFEF7, lr;
	s5 =	simm.s32 $0xFFFFFFFF;
	p2 =	slt.u32 s8, $0xFFFFF086  }
0x1c: {  	p1 =	slt.u32 s9, $0xF7A;
	s5 =	simm.s32 @!p2 $0x0  }
0x1d: {  	s5 =	simm.s32 @p1 $0x1;
	p0 =	seq.s32 s7, s2  }
0x1e: {  	s7 =	smul.u32 @!p0 $0xF7A, s2;
	p2 =	seq.s32 @!p0 s5, $0x0  }
0x1f: {  	s9 =	smul.u32 $0xF7A, s1;
	s8 =	simm.s32 @!p0 $0x1BF5;
	p2 =	por !p2, p0  }
0x20: {  	[sflag:s8] =	ssyncset.s32 @!p0 $0xFFFFF086;
	s6 =	sadd.s32 @!p0 s3, s7;
	s7 =	simm.s32 @!p0 $0x108  }
0x21: {  	s3 =	sadd.s32 s3, s9;
	s6 =	sadd.s32 @!p0 $0x88, s6;
	s7 =	simm.s32 @p2 $0x1082  }
0x22: {  	[simem:s7], [sflag:s8] =	dma.local @!p0 [hbm:s6], $0xF7A  }
0x23: {  	s9 =	sor.u32 $0xD0000000, s2;
	s6 =	simm.s32 $0x108;
	_ =	swait.ge @!p0 [sflag:s8], $0x0  }
0x24: {  	s3 =	sadd.s32 $0x88, s3;
	s6 =	simm.s32 @!p1 $0x1082;
	[sflag:s4] =	ssyncset.s32 $0xFFFFF086  }
0x25: {  	[simem:s6], [sflag:s4] =	dma.local [hbm:s3], $0xF7A  }
0x26: {  	[smem:$0x3F9E] =	sst s1;
	(tag) =	ssettag s2;
	_ =	strace s9  }
0x27: {  	s1 =	sld [smem:$0x3FAE]  }
0x28: {  	s2 =	sld [smem:$0x3FAF]  }
0x29: {  	s4 =	sld [smem:$0x3FB1]  }
0x2a: {  	p0 =	seq.s32 s5, $0x0;
	s5 =	sld [smem:$0x3FB2]  }
0x2b: {  	s6 =	sld [smem:$0x3FB3]  }
0x2c: {  	s7 =	sld [smem:$0x3FB4]  }
0x2d: {  	s3 =	simm.s32 $0x108;
	s8 =	sld [smem:$0x3FB5]  }
0x2e: {  	s3 =	simm.s32 @!p0 $0x1082;
	s9 =	sld [smem:$0x3FB6]  }
0x2f: {  	lr =	sadd.s32 s0, s3;
	s0 =	sld [smem:$0x3FAD]  }
0x30: {  	s3 =	sld [smem:$0x3FB0]  }
0x31: {  	[smem:$0x3FB9] =	sst s10  }
0x32: {  	s10 =	sld [smem:$0x3FB7];
	_ =	sdelay $0x3  }
0x33: {  	p0 =	seq.s32 s10, $0x1;
	s10 =	sld [smem:$0x3FB9];
	_ =	sdelay $0x3  }
0x34: {  	[smem:$0x3FB9] =	sst s10  }
0x35: {  	s10 =	sld [smem:$0x3FB8];
	_ =	sdelay $0x3  }
0x36: {  	p1 =	seq.s32 s10, $0x1;
	s10 =	sld [smem:$0x3FB9];
	_ =	sdelay $0x3  }
0x37: {  	[smem:$0x3FB9] =	sst s10  }
0x38: {  	s10 =	sld [smem:$0x3FBA]  }
0x39: {  	_ = 	snop;
	(pc) =	sbr.ind lr, $3  }
0x3a: {  	_ = 	snop  }
0x3b: {  	_ = 	snop  }
0x3c: {  	p2 =	seq.s32 s10, $0x1;
	s10 =	sld [smem:$0x3FB9]  }
0x3d: {  	_ =	shalt  }
0x3e: {  	_ =	shalt  }
0x3f: {  	_ =	shalt  }
0x40: {  	_ =	shalt  }
0x41: {  	_ =	shalt  }
0x42: {  	_ =	shalt  }
0x43: {  	_ =	shalt  }
0x44: {  	_ =	shalt  }
0x45: {  	_ =	shalt  }
0x46: {  	_ =	shalt  }
0x47: {  	_ =	shalt  }
0x48: {  	_ =	shalt  }
0x49: {  	_ =	shalt  }
0x4a: {  	_ =	shalt  }
0x4b: {  	_ =	shalt  }
0x4c: {  	_ =	shalt  }
0x4d: {  	_ =	shalt  }
0x4e: {  	_ =	shalt  }
0x4f: {  	_ =	shalt  }
0x50: {  	_ =	shalt  }
0x51: {  	_ =	shalt  }
0x52: {  	_ =	shalt  }
0x53: {  	_ =	shalt  }
0x54: {  	_ =	shalt  }
0x55: {  	_ =	shalt  }
0x56: {  	_ =	shalt  }
0x57: {  	_ =	shalt  }
0x58: {  	_ =	shalt  }
0x59: {  	_ =	shalt  }
0x5a: {  	_ =	shalt  }
0x5b: {  	_ =	shalt  }
0x5c: {  	_ =	shalt  }
0x5d: {  	_ =	shalt  }
0x5e: {  	_ =	shalt  }
0x5f: {  	_ =	shalt  }
0x60: {  	_ =	shalt  }
0x61: {  	_ =	shalt  }
0x62: {  	_ =	shalt  }
0x63: {  	_ =	shalt  }
0x64: {  	_ =	shalt  }
0x65: {  	_ =	shalt  }
0x66: {  	_ =	shalt  }
0x67: {  	_ =	shalt  }
0x68: {  	_ =	shalt  }
0x69: {  	_ =	shalt  }
0x6a: {  	_ =	shalt  }
0x6b: {  	_ =	shalt  }
0x6c: {  	_ =	shalt  }
0x6d: {  	_ =	shalt  }
0x6e: {  	_ =	shalt  }
0x6f: {  	_ =	shalt  }
0x70: {  	_ =	shalt  }
0x71: {  	_ =	shalt  }
0x72: {  	_ =	shalt  }
0x73: {  	_ =	shalt  }
0x74: {  	_ =	shalt  }
0x75: {  	_ =	shalt  }
0x76: {  	_ =	shalt  }
0x77: {  	_ =	shalt  }
0x78: {  	_ =	shalt  }
0x79: {  	_ =	shalt  }
0x7a: {  	_ =	shalt  }
0x7b: {  	_ =	shalt  }
0x7c: {  	_ =	shalt  }
0x7d: {  	_ =	shalt  }
0x7e: {  	_ =	shalt  }
0x7f: {  	_ =	shalt  }
0x80: {  	_ =	shalt  }
0x81: {  	_ =	shalt  }
0x82: {  	_ =	shalt  }
0x83: {  	_ =	shalt  }
0x84: {  	_ =	shalt  }
0x85: {  	_ =	shalt  }
0x86: {  	_ =	shalt  }
0x87: {  	_ =	shalt  }
.Lfunc_end0:
.L_simem_size_0:
called_computation_lowered:
.L_overlay_start_0:
0x88: {  	s0 =	sld [smem:$0x3FD9]  }
0x89: {  	s1 =	sld [smem:$0x3FFE];
	_ =	sdelay $0x3  }
0x8a: {  	s0 =	sadd.s32 s1, s0  }
0x8b: {  	[smem:$0x3FC5] =	sst s0  }
0x8c: {  	_ = 	snop  }
0x8d: {  	s0 =	sld [smem:$0x3FC9]  }
0x8e: {  	s17 =	sld [smem:$0x3FC8]  }
0x8f: {  	s2 =	sld [smem:$0x3FC7]  }
0x90: {  	s3 =	sld [smem:$0x3FD0];
	(tm) =	ssettm $0x1  }
0x91: {  	s4 =	sld [smem:$0x3FFB];
	_ =	sdelay $0x3  }
0x92: {  	_ =	strace s4  }
0x93: {  	s4 =	sld [smem:$0x3FFC];
	_ =	sdelay $0x3  }
0x94: {  	_ =	strace s4  }
0x95: {  	s4 =	sld [smem:$0x3FFD];
	_ =	sdelay $0x3  }
0x96: {  	_ =	strace s4  }
0x97: {  	_ =	strace $0x8FFFFFFF  }
0x98: {  	s18 =	sld [smem:$0x3FDB];
	_ =	sdelay $0x1  }
0x99: {  	s5 =	simm.s32 $_scs_section_size  }
0x9a: {  	s6 =	simm.s32 $_size__tile_overlayer_lowered;
	s7 =	simm.s32 $_tile_overlayer_lowered  }
0x9b: {  	s21 =	simm.s32 $0x1BFF;
	s20 =	sshll.u32 s7, $0x1;
	s4 =	sadd.s32 s5, s18  }
0x9c: {  	s8 =	simm.s32 $0x0;
	s19 =	sshll.u32 s6, $0x1;
	s6 =	sadd.s32 s20, s4  }
0x9d: {  	[timem:s8], [sflag:s21] =	dma.local [hbm:s6], s19  }
0x9e: {  	_ =	swait.ge [sflag:s21], s19  }
0x9f: {  	s5 =	ssub.s32 $0x0, s19;
	[sflag:s21] =	ssyncset.done $0x0  }
0xa0: {  	[sflag:s21] =	ssyncadd.s32 s5;
	_ =	sdelay $0x1  }
0xa1: {  	s22 =	simm.s32 $0x1B8B  }
0xa2: {  	_ =	swait.ge [sflag:s22], $0x1  }
0xa3: {  	[sflag:s22] =	ssyncset.done $0x0  }
0xa4: {  	s23 =	simm.s32 $0x1B8E;
	[sflag:s22] =	ssyncadd.s32 $0xFFFFFFFF  }
0xa5: {  	s24 =	simm.s32 $execute0_lowered;
	[smem:$0x3FD2] =	sst s23  }
0xa6: {  	s5 =	sshll.u32 s24, $0x1;
	_ =	strace $0x80000046;
	[dreg:$0x1] =	wrdreg $0xFFFFFFFF  }
0xa7: {  	s25 =	simm.s32 $_size_execute0_lowered;
	s4 =	sadd.s32 s4, s5;
	[dreg:$0x0] =	wrdreg $0x0  }
0xa8: {  	s5 =	sshll.u32 s25, $0x1;
	[dreg:$0x2] =	wrdreg s4  }
0xa9: {  	[dreg:$0x3] =	wrdreg s5  }
0xaa: {  	[dreg:$0x4] =	wrdreg $0xC0  }
0xab: {  	_ =	task [dreg:s8], $0x5FFFF  }
0xac: {  	[dreg:$0x1] =	wrdreg $0xFFFFFFFF  }
0xad: {  	[dreg:$0x0] =	wrdreg $0x60  }
0xae: {  	[dreg:$0x2] =	wrdreg s0  }
0xaf: {  	[dreg:$0x3] =	wrdreg s17  }
0xb0: {  	[dreg:$0x4] =	wrdreg s2  }
0xb1: {  	[dreg:$0x5] =	wrdreg s3  }
0xb2: {  	[dreg:$0x6] =	wrdreg $0x21100  }
0xb3: {  	[dreg:$0x7] =	wrdreg $0x9  }
0xb4: {  	_ =	task.clear_ibuf [dreg:s8], $0x8FFFF;
	_ =	strace $0x90000046  }
0xb5: {  	s26 =	simm.s32 $0x9;
	_ =	strace $0x80000048  }
0xb6: {  	_ =	swait.ge [sflag:s26], $0x1  }
0xb7: {  	[sflag:s26] =	ssyncadd.s32 $0xFFFFFFFF  }
0xb8: {  	_ =	strace $0x90000048  }
0xb9: {  	_ =	sfence  }
0xba: {  	s28 =	sld [smem:$0x0];
	_ =	sdelay $0x1  }
0xbb: {  	s29 =	srdreg.scid  }
0xbc: {  	s30 =	sshll.u32 s29, $0xD;
	s31 =	sshrl.u32 s29, $0x2  }
0xbd: {  	s1 =	sand.u32 $0x1, s29;
	s2 =	sand.u32 $0x4000, s30;
	s0 =	sadd.s32 s31, s28  }
0xbe: {  	s1 =	sor.u32 s2, s1;
	s0 =	sshll.u32 s0, $0x11  }
0xbf: {  	s0 =	sor.u32 s0, s1  }
0xc0: {  	s0 =	sadd.s32 $0x8F2B, s0  }
0xc1: {  	[sflag:s0] =	ssyncadd.remote.s32 $0x1  }
0xc2: {  	_ =	sfence.sel $0xFFFF  }
0xc3: {  	[dreg:$0x0] =	wrdreg $0xFFFFFFFF;
	(pc) =	sbr.abs _section_cstart, $3  }
0xc4: {  	[dreg:$0x1] =	wrdreg $0xFFFFFFFF  }
0xc5: {  	_ =	task.clear_ibuf [dreg:s8], $0x2FFFF;
	_ =	strace $0x9FFFFFFF  }
0xc6: {  	(tm) =	ssettm $0x7FFFFFFF  }
0xc7: {  	_ =	shalt  }
tec
execute0_lowered:
.L_overlay_start_1:
0x0: {  	(tag) =	ssettag $0x1  }
0x1: {  	s5 =	rddreg [dreg:$0x0]  }
0x2: {  	s6 =	rddreg [dreg:$0x1]  }
0x3: {  	s7 =	rddreg [dreg:$0x2]  }
0x4: {  	s1 =	rddreg [dreg:$0x3]  }
0x5: {  	s2 =	rddreg [dreg:$0x4]  }
0x6: {  	s0 =	rddreg [dreg:$0x5];
	s8 =	simm.s32 $0x0;
	s3 =	stileid.u32  }
0x7: {  	[smem:$0x7FF] =	sst s8;
	s4 =	sshll.u32 s3, $0x8  }
0x8: {  	s9 =	sshll.u32 s3, $0x7;
	_ =	strace $0x80000047;
	s5 =	sadd.s32 s5, s4  }
0x9: {  	[tilespmem:s8], [sflag:$0x1] =	stream.linear.gather [hbm4b:s5+s8], $0x800, $0x38;
	[tilespmem:$0x2210] =	vst v63  }
0xa: {  	s16 =	simm.s32 $0x800;
	s15 =	sadd.s32 s6, s9  }
0xb: {  	[tilespmem:s16], [sflag:$0x2] =	stream.linear.gather [hbm4b:s15+s8], $0x400, $0x38;
	[tilespmem:$0x2210] =	vst v63  }
0xc: {  	s17 =	simm.s32 $0x1;
	s7 =	sadd.s32 s7, s9;
	s5 =	simm.s32 $0xC00  }
0xd: {  	[tilespmem:s5], [sflag:$0x3] =	stream.linear.gather [hbm4b:s7+s8], $0x400, $0x38;
	[tilespmem:$0x2210] =	vst v63  }
0xe: {  	_ =	swait.ge [sflag:s17], $0x800  }
0xf: {  	[sflag:s17] =	ssyncset.done $0x0  }
0x10: {  	s18 =	simm.s32 $0x2;
	[sflag:s17] =	ssyncadd.s32 $0xFFFFF800  }
0x11: {  	_ =	swait.ge [sflag:s18], $0x400  }
0x12: {  	[sflag:s18] =	ssyncset.done $0x0  }
0x13: {  	s19 =	simm.s32 $0x3;
	[sflag:s18] =	ssyncadd.s32 $0xFFFFFC00  }
0x14: {  	_ =	swait.ge [sflag:s19], $0x400  }
0x15: {  	[sflag:s19] =	ssyncset.done $0x0  }
0x16: {  	s20 =	sand.u32 $0x700, s8;
	s8 =	sand.u32 $0x70, s8;
	[sflag:s19] =	ssyncadd.s32 $0xFFFFFC00  }
0x17: {  	s21 =	sor.u32 s8, s20;
	v4 =	vld [tilespmem:s16+$0x0]  }
0x18: {  	v0 =	vld [tilespmem:s21+$0x0]  }
0x19: {  	v1 =	vld [tilespmem:s21+$0x80];
	_ =	sdelay $0x2  }
0x1a: {  	v2 =	vshll.u32 v4, $0x1  }
0x1b: {  	v2 =	vsub.s32 $0x1, v2  }
0x1c: {  	v0 =	vsub.f32 v0, v1;
	v2 =	vcvt.s32.f32 v2;
	_ =	sdelay $0x1  }
0x1d: {  	v5 =	vmul.f32 v2, v0;
	_ =	sdelay $0x1  }
0x1e: {  	v0 =	vand.u32 $0x7FFFFFFF, v5  }
0x1f: {  	v0 =	vsub.f32 $0.0e+00, v0;
	_ =	sdelay $0x1  }
0x20: {  	v0 =	vmul.f32 $1.442695020e+00, v0;
	_ =	sdelay $0x1  }
0x21: {  	(erf) = vpow2.f32 v0;
	_ =	sdelay $0x4  }
0x22: {  	s22 =	simm.s32 $0x20;
	s23 =	simm.s32 $0x10  }
0x23: {  	s24 =	simm.s32 $0x810;
	s6 =	sand.u32 $0x700, s22;
	s7 =	sand.u32 $0x70, s23  }
0x24: {  	s6 =	sor.u32 s7, s6;
	v2 =	vld [tilespmem:s24+$0x0]  }
0x25: {  	v1 =	vld [tilespmem:s6+$0x80]  }
0x26: {  	v0 =	vld [tilespmem:s6+$0x0];
	v6 =	vpop (erf)  }
0x27: {  	v3 =	vadd.f32 $2.000000000e+00, v6;
	_ =	sdelay $0x1  }
0x28: {  	v7 =	vshll.u32 v2, $0x1;
	(erf) = vrcp.f32 v3  }
0x29: {  	v3 =	vsub.s32 $0x1, v7  }
0x2a: {  	v0 =	vsub.f32 v0, v1;
	v3 =	vcvt.s32.f32 v3;
	_ =	sdelay $0x1  }
0x2b: {  	v3 =	vmul.f32 v3, v0;
	_ =	sdelay $0x1  }
0x2c: {  	v0 =	vand.u32 $0x7FFFFFFF, v3  }
0x2d: {  	v0 =	vsub.f32 $0.0e+00, v0;
	_ =	sdelay $0x1  }
0x2e: {  	v0 =	vmul.f32 $1.442695020e+00, v0;
	v1 =	vpop (erf)  }
0x2f: {  	v6 =	vmul.f32 v1, v6  }
0x30: {  	(erf) = vpow2.f32 v0  }
0x31: {  	v1 =	vmul.f32 v6, v6;
	_ =	sdelay $0x1  }
0x32: {  	v0 =	vmul.f32 $1.111111120e-01, v1  }
0x33: {  	s25 =	simm.s32 $0x40;
	s26 =	simm.s32 $0x20  }
0x34: {  	s28 =	simm.s32 $0x820;
	s7 =	sand.u32 $0x70, s26;
	s6 =	sand.u32 $0x700, s25;
	v7 =	vadd.f32 $1.428571340e-01, v0  }
0x35: {  	s6 =	sor.u32 s7, s6;
	v0 =	vld [tilespmem:s28+$0x0]  }
0x36: {  	v8 =	vld [tilespmem:s6+$0x0];
	v7 =	vmul.f32 v7, v1  }
0x37: {  	v9 =	vld [tilespmem:s6+$0x80]  }
0x38: {  	v10 =	vpop (erf);
	v7 =	vadd.f32 $2.000000030e-01, v7  }
0x39: {  	v11 =	vadd.f32 $2.000000000e+00, v10  }
0x3a: {  	v12 =	vshll.u32 v0, $0x1;
	v7 =	vmul.f32 v7, v1  }
0x3b: {  	v17 =	vimm.f32 $0.0e+00;
	(erf) = vrcp.f32 v11;
	v11 =	vsub.s32 $0x1, v12  }
0x3c: {  	v8 =	vsub.f32 v8, v9;
	v11 =	vcvt.s32.f32 v11;
	v7 =	vadd.f32 $3.333333430e-01, v7  }
0x3d: {  	v14 =	vimm.f32 $0.0e+00;
	v15 =	vimm.f32 $0.0e+00;
	v18 =	vimm.f32 $0.0e+00  }
0x3e: {  	v13 =	vimm.s32 $0x0;
	v7 =	vmul.f32 v7, v1;
	v1 =	vmul.f32 v11, v8;
	v8 =	vld [tilespmem:s5+$0x0]  }
0x3f: {  	v21 =	vimm.s32 $0x0;
	v19 =	vimm.s32 $0x0;
	v5 =	vsub.f32 $0.0e+00, v5  }
0x40: {  	v9 =	vadd.f32 v6, v6;
	v11 =	vadd.f32 $1.000000000e+00, v7;
	v6 =	vand.u32 $0x7FFFFFFF, v1  }
0x41: {  	v20 =	vimm.s32 $0x0;
	v16 =	vimm.s32 $0x0;
	v12 =	vsub.f32 $0.0e+00, v6  }
0x42: {  	v4 =	vshll.u32 v4, $0x2;
	v5 =	vmax.f32 v5, $0.0e+00;
	v9 =	vmul.f32 v11, v9  }
0x43: {  	v7 =	vimm.f32 $0.0e+00;
	v11 =	vmul.f32 $1.442695020e+00, v12;
	v4 =	vadd.s32 v8, v4  }
0x44: {  	v6 =	vimm.s32 $0x0;
	v24 =	vadd.f32 v9, v5;
	vm4 =	veq.s32 v4, $0x0  }
0x45: {  	vm6 =	veq.s32 v4, $0x1;
	vm7 =	veq.s32 v4, $0x2;
	v12 =	vpop (erf);
	(erf) = vpow2.f32 v11  }
0x46: {  	vm3 =	veq.s32 v4, $0x3;
	v32 =	vmpcnt.ones.xlane vm4;
	v8 =	vmul.f32 v12, v10  }
0x47: {  	vm1 =	veq.s32 v4, $0x4;
	v30 =	vmpcnt.ones.xlane vm6;
	v31 =	vmpcnt.ones.xlane vm7  }
0x48: {  	vm2 =	veq.s32 v4, $0x5;
	v28 =	vmpcnt.ones.xlane vm3;
	v23 =	vmul.f32 v8, v8  }
0x49: {  	vm0 =	veq.s32 v4, $0x6;
	v26 =	vmpcnt.ones.xlane vm1;
	v29 =	vmpcnt.ones.xlane vm2  }
0x4a: {  	vm5 =	veq.s32 v4, $0x7;
	v25 =	vmpcnt.ones.xlane vm0;
	v9 =	vmul.f32 $1.111111120e-01, v23  }
0x4b: {  	v27 =	vmpcnt.ones.xlane vm5;
	v11 =	vimm.f32 $0.0e+00;
	v5 =	vnsel vm5, $0x0, v24  }
0x4c: {  	s29 =	simm.s32 $0x60;
	s6 =	simm.s32 $0x30;
	v33 =	vnsel vm4, $0x0, v24;
	v34 =	vnsel vm6, $0x0, v24;
	v4 =	vadd.f32 $1.428571340e-01, v9  }
0x4d: {  	s30 =	sand.u32 $0x700, s29;
	s7 =	simm.s32 $0x830;
	s31 =	sand.u32 $0x70, s6;
	v35 =	vnsel vm7, $0x0, v24;
	v12 =	vimm.f32 $0.0e+00;
	v10 =	vimm.s32 $0x0  }
0x4e: {  	s8 =	simm.s32 $0x80;
	s9 =	sor.u32 s31, s30;
	v5 =	vadd.f32 v5, v7;
	v9 =	vimm.s32 $0x0;
	v36 =	vmul.f32 v4, v23;
	v4 =	vld [tilespmem:s7+$0x0]  }
.LBB2_1:
0x4f: {  	p0 =	sne.s32 s8, $0x7E0;
	v22 =	vld [tilespmem:s9+$0x0];
	v37 =	vnsel vm3, $0x0, v24;
	v38 =	vnsel vm1, $0x0, v24;
	v39 =	vnsel vm2, $0x0, v24  }
0x50: {  	v7 =	vadd.f32 v33, v7;
	v24 =	vnsel vm0, $0x0, v24;
	v40 =	vld [tilespmem:s9+$0x80];
	v41 =	vpop (erf);
	v36 =	vadd.f32 $2.000000030e-01, v36  }
0x51: {  	v6 =	vadd.s32 v6, v32;
	v17 =	vadd.f32 v34, v17;
	v33 =	vadd.f32 $2.000000000e+00, v41  }
0x52: {  	v14 =	vadd.f32 v35, v14;
	v15 =	vadd.f32 v37, v15;
	v32 =	vmul.f32 v36, v23  }
0x53: {  	v11 =	vadd.f32 v38, v11;
	v34 =	vshll.u32 v4, $0x1;
	(erf) = vrcp.f32 v33  }
0x54: {  	v18 =	vadd.f32 v39, v18;
	v33 =	vsub.s32 $0x1, v34;
	v32 =	vadd.f32 $3.333333430e-01, v32  }
0x55: {  	v12 =	vadd.f32 v24, v12;
	v33 =	vcvt.s32.f32 v33;
	v22 =	vsub.f32 v22, v40  }
0x56: {  	v13 =	vadd.s32 v13, v30;
	v21 =	vadd.s32 v21, v31;
	s5 =	sadd.s32 $0x10, s5;
	v23 =	vmul.f32 v32, v23  }
0x57: {  	v19 =	vadd.s32 v19, v28;
	v9 =	vadd.s32 v9, v26;
	v22 =	vmul.f32 v33, v22;
	v30 =	vld [tilespmem:s5+$0x0]  }
0x58: {  	v8 =	vadd.f32 v8, v8;
	v20 =	vadd.s32 v20, v29;
	v23 =	vadd.f32 $1.000000000e+00, v23  }
0x59: {  	v26 =	vsub.f32 $0.0e+00, v3;
	v16 =	vadd.s32 v16, v25;
	v3 =	vmovc v1;
	v24 =	vand.u32 $0x7FFFFFFF, v22;
	v1 =	vmovc v22  }
0x5a: {  	v10 =	vadd.s32 v10, v27;
	v24 =	vsub.f32 $0.0e+00, v24;
	v8 =	vmul.f32 v23, v8  }
0x5b: {  	v25 =	vshll.u32 v2, $0x2;
	v2 =	vmovc v0;
	v0 =	vmov v4;
	v23 =	vmax.f32 v26, $0.0e+00  }
0x5c: {  	v4 =	vmul.f32 $1.442695020e+00, v24;
	v22 =	vpop (erf);
	v24 =	vadd.f32 v8, v23;
	v25 =	vadd.s32 v30, v25  }
0x5d: {  	v8 =	vmul.f32 v22, v41;
	vm5 =	veq.s32 v25, $0x0;
	vm4 =	veq.s32 v25, $0x7  }
0x5e: {  	vm6 =	veq.s32 v25, $0x1;
	(erf) = vpow2.f32 v4;
	v4 =	vnsel vm4, $0x0, v24  }
0x5f: {  	vm7 =	veq.s32 v25, $0x2;
	v23 =	vmul.f32 v8, v8;
	v5 =	vadd.f32 v4, v5  }
0x60: {  	vm3 =	veq.s32 v25, $0x3;
	vm1 =	veq.s32 v25, $0x4;
	vm2 =	veq.s32 v25, $0x5  }
.Ltmp0:
0x61: {  	vm0 =	veq.s32 v25, $0x6;
	v32 =	vmpcnt.ones.xlane vm5;
	v4 =	vmul.f32 $1.111111120e-01, v23;
	(pc) =	sbr.rel @p0 .LBB2_1-.Ltmp0, $4  }
0x62: {  	v33 =	vnsel vm5, $0x0, v24;
	v30 =	vmpcnt.ones.xlane vm6;
	v31 =	vmpcnt.ones.xlane vm7  }
0x63: {  	s6 =	sadd.s32 $0x10, s6;
	v28 =	vmpcnt.ones.xlane vm3;
	v26 =	vmpcnt.ones.xlane vm1;
	v22 =	vadd.f32 $1.428571340e-01, v4  }
0x64: {  	s7 =	sadd.s32 $0x10, s7;
	s9 =	sand.u32 $0x700, s8;
	s10 =	sand.u32 $0x70, s6;
	v34 =	vnsel vm6, $0x0, v24;
	v29 =	vmpcnt.ones.xlane vm2;
	v25 =	vmpcnt.ones.xlane vm0  }
0x65: {  	s8 =	sadd.s32 $0x20, s8;
	s9 =	sor.u32 s10, s9;
	v35 =	vnsel vm7, $0x0, v24;
	v27 =	vmpcnt.ones.xlane vm4;
	v4 =	vld [tilespmem:s7+$0x0];
	v36 =	vmul.f32 v22, v23  }
0x66: {  	v39 =	vnsel vm3, $0x0, v24;
	v40 =	vnsel vm1, $0x0, v24;
	v41 =	vnsel vm2, $0x0, v24  }
0x67: {  	v22 =	vld [tilespmem:s9+$0x0];
	v7 =	vadd.f32 v33, v7;
	v42 =	vnsel vm0, $0x0, v24;
	v6 =	vadd.s32 v6, v32  }
0x68: {  	v37 =	vld [tilespmem:s9+$0x80];
	v17 =	vadd.f32 v34, v17;
	v14 =	vadd.f32 v35, v14;
	v13 =	vadd.s32 v13, v30  }
0x69: {  	v21 =	vadd.s32 v21, v31;
	v19 =	vadd.s32 v19, v28;
	v8 =	vadd.f32 v8, v8  }
0x6a: {  	v9 =	vadd.s32 v9, v26;
	v20 =	vadd.s32 v20, v29;
	v3 =	vsub.f32 $0.0e+00, v3  }
0x6b: {  	v16 =	vadd.s32 v16, v25;
	v2 =	vshll.u32 v2, $0x2;
	v38 =	vshll.u32 v4, $0x1  }
0x6c: {  	s5 =	sadd.s32 $0x10, s5;
	v1 =	vsub.f32 $0.0e+00, v1;
	v36 =	vadd.f32 $2.000000030e-01, v36;
	v38 =	vsub.s32 $0x1, v38  }
0x6d: {  	v15 =	vadd.f32 v39, v15;
	v46 =	vld [tilespmem:s5+$0x0];
	v22 =	vsub.f32 v22, v37;
	v38 =	vcvt.s32.f32 v38  }
0x6e: {  	v0 =	vshll.u32 v0, $0x2;
	v61 =	vpop (erf);
	v11 =	vadd.f32 v40, v11;
	v18 =	vadd.f32 v41, v18  }
0x6f: {  	v62 =	vadd.f32 $2.000000000e+00, v61;
	v36 =	vmul.f32 v36, v23;
	v22 =	vmul.f32 v38, v22  }
0x70: {  	v12 =	vadd.f32 v42, v12;
	v10 =	vadd.s32 v10, v27;
	v3 =	vmax.f32 v3, $0.0e+00  }
0x71: {  	(erf) = vrcp.f32 v62;
	v44 =	vadd.f32 $3.333333430e-01, v36;
	v63 =	vand.u32 $0x7FFFFFFF, v22  }
0x72: {  	v1 =	vmax.f32 v1, $0.0e+00;
	v2 =	vadd.s32 v46, v2;
	v38 =	vsub.f32 $0.0e+00, v63  }
0x73: {  	v36 =	vshll.u32 v4, $0x2;
	v45 =	vmul.f32 v44, v23;
	vm12 =	veq.s32 v2, $0x0  }
0x74: {  	vm13 =	veq.s32 v2, $0x7;
	vm14 =	veq.s32 v2, $0x1;
	v43 =	vmul.f32 $1.442695020e+00, v38  }
0x75: {  	vm15 =	veq.s32 v2, $0x2;
	vm4 =	veq.s32 v2, $0x3;
	v54 =	vmpcnt.ones.xlane vm12  }
0x76: {  	vm5 =	veq.s32 v2, $0x4;
	v55 =	vmpcnt.ones.xlane vm14;
	(erf) = vpow2.f32 v43  }
0x77: {  	s5 =	sadd.s32 $0x10, s5;
	vm6 =	veq.s32 v2, $0x5;
	v56 =	vmpcnt.ones.xlane vm15;
	v59 =	vmpcnt.ones.xlane vm4  }
0x78: {  	v46 =	vld [tilespmem:s5+$0x0];
	vm7 =	veq.s32 v2, $0x6;
	v60 =	vmpcnt.ones.xlane vm5;
	v62 =	vmpcnt.ones.xlane vm6  }
0x79: {  	s5 =	sadd.s32 $0x10, s5;
	v41 =	vmpcnt.ones.xlane vm13;
	v23 =	vadd.f32 $1.000000000e+00, v45;
	v6 =	vadd.s32 v6, v54  }
0x7a: {  	v31 =	vld [tilespmem:s5+$0x0];
	v13 =	vadd.s32 v13, v55;
	v2 =	vadd.s32 v21, v56;
	v19 =	vadd.s32 v19, v59;
	v47 =	vpop (erf)  }
0x7b: {  	v9 =	vadd.s32 v9, v60;
	v20 =	vadd.s32 v20, v62;
	v48 =	vmul.f32 v47, v61  }
0x7c: {  	v10 =	vadd.s32 v10, v41;
	v35 =	vsub.f32 $0.0e+00, v22;
	v8 =	vmul.f32 v23, v8  }
0x7d: {  	v63 =	vmpcnt.ones.xlane vm7;
	v0 =	vadd.s32 v46, v0;
	v49 =	vmul.f32 v48, v48  }
0x7e: {  	vm1 =	veq.s32 v0, $0x0;
	vm9 =	veq.s32 v0, $0x7;
	vm10 =	veq.s32 v0, $0x1  }
0x7f: {  	vm11 =	veq.s32 v0, $0x2;
	v4 =	vadd.s32 v31, v36;
	v51 =	vmul.f32 $1.111111120e-01, v49;
	v52 =	vpop (erf)  }
0x80: {  	v3 =	vadd.f32 v8, v3;
	v16 =	vadd.s32 v16, v63;
	v53 =	vadd.f32 $2.000000000e+00, v52  }
0x81: {  	v54 =	vmpcnt.ones.xlane vm11;
	v32 =	vmpcnt.ones.xlane vm9;
	v25 =	vadd.f32 $1.428571340e-01, v51  }
0x82: {  	vm8 =	veq.s32 v4, $0x0;
	v50 =	vnsel vm13, $0x0, v3;
	(erf) = vrcp.f32 v53  }
0x83: {  	v58 =	vnsel vm12, $0x0, v3;
	v61 =	vnsel vm14, $0x0, v3;
	v57 =	vmul.f32 v25, v49  }
0x84: {  	v40 =	vnsel vm15, $0x0, v3;
	v42 =	vnsel vm4, $0x0, v3;
	v43 =	vnsel vm5, $0x0, v3  }
0x85: {  	v44 =	vnsel vm6, $0x0, v3;
	v3 =	vnsel vm7, $0x0, v3;
	v24 =	vadd.f32 $2.000000030e-01, v57  }
0x86: {  	vm12 =	veq.s32 v0, $0x3;
	vm13 =	veq.s32 v0, $0x4;
	vm14 =	veq.s32 v0, $0x5  }
0x87: {  	v5 =	vadd.f32 v50, v5;
	v7 =	vadd.f32 v58, v7;
	v24 =	vmul.f32 v24, v49  }
0x88: {  	vm15 =	veq.s32 v0, $0x6;
	v17 =	vadd.f32 v61, v17;
	v14 =	vadd.f32 v40, v14  }
0x89: {  	v2 =	vadd.s32 v2, v54;
	v15 =	vadd.f32 v42, v15;
	v24 =	vadd.f32 $3.333333430e-01, v24  }
0x8a: {  	v11 =	vadd.f32 v43, v11;
	v18 =	vadd.f32 v44, v18;
	v55 =	vmpcnt.ones.xlane vm12  }
0x8b: {  	v3 =	vadd.f32 v3, v12;
	v56 =	vmpcnt.ones.xlane vm13;
	v8 =	vmul.f32 v24, v49;
	v45 =	vpop (erf)  }
0x8c: {  	v23 =	vadd.f32 v48, v48;
	v58 =	vmpcnt.ones.xlane vm14;
	v12 =	vmul.f32 v45, v52  }
0x8d: {  	v59 =	vmpcnt.ones.xlane vm15;
	v40 =	vmpcnt.ones.xlane vm8;
	v8 =	vadd.f32 $1.000000000e+00, v8  }
0x8e: {  	v37 =	vadd.s32 v19, v55;
	v51 =	vmpcnt.ones.xlane vm1;
	v47 =	vmul.f32 v12, v12  }
0x8f: {  	v38 =	vadd.s32 v9, v56;
	v39 =	vadd.s32 v20, v58;
	v8 =	vmul.f32 v8, v23  }
0x90: {  	v16 =	vadd.s32 v16, v59;
	v6 =	vadd.s32 v6, v51;
	v48 =	vmul.f32 $1.111111120e-01, v47  }
0x91: {  	v59 =	vadd.s32 v10, v32;
	v6 =	vadd.s32 v6, v40;
	v1 =	vadd.f32 v8, v1  }
0x92: {  	v6 =	vcvt.s32.f32 v6;
	v52 =	vmpcnt.ones.xlane vm10;
	v49 =	vadd.f32 $1.428571340e-01, v48  }
0x93: {  	v50 =	vnsel vm9, $0x0, v1;
	v53 =	vnsel vm1, $0x0, v1;
	v57 =	vnsel vm10, $0x0, v1  }
0x94: {  	v60 =	vnsel vm11, $0x0, v1;
	v61 =	vnsel vm12, $0x0, v1;
	v8 =	vmul.f32 v49, v47  }
0x95: {  	v62 =	vnsel vm13, $0x0, v1;
	v63 =	vnsel vm14, $0x0, v1;
	v1 =	vnsel vm15, $0x0, v1  }
0x96: {  	vm9 =	veq.s32 v4, $0x1;
	vm10 =	veq.s32 v4, $0x2;
	v8 =	vadd.f32 $2.000000030e-01, v8  }
0x97: {  	vm11 =	veq.s32 v4, $0x3;
	vm12 =	veq.s32 v4, $0x4;
	vm13 =	veq.s32 v4, $0x5  }
0x98: {  	vm14 =	veq.s32 v4, $0x6;
	v17 =	vadd.f32 v57, v17;
	v8 =	vmul.f32 v8, v47  }
0x99: {  	vm15 =	veq.s32 v4, $0x7;
	v11 =	vadd.f32 v62, v11;
	v18 =	vadd.f32 v63, v18  }
0x9a: {  	v12 =	vadd.f32 v12, v12;
	v42 =	vmpcnt.ones.xlane vm9;
	v8 =	vadd.f32 $3.333333430e-01, v8  }
0x9b: {  	v1 =	vadd.f32 v1, v3;
	v44 =	vmpcnt.ones.xlane vm10;
	v46 =	vmpcnt.ones.xlane vm11  }
0x9c: {  	v0 =	vadd.s32 v13, v52;
	v58 =	vmpcnt.ones.xlane vm15;
	v8 =	vmul.f32 v8, v47  }
0x9d: {  	[tilespmem:$0x1080] =	vst v6;
	v52 =	vmpcnt.ones.xlane vm13;
	v0 =	vadd.s32 v0, v42;
	v6 =	vadd.s32 v37, v46  }
0x9e: {  	v62 =	vadd.s32 v59, v58;
	v0 =	vcvt.s32.f32 v0;
	v8 =	vadd.f32 $1.000000000e+00, v8  }
0x9f: {  	v3 =	vmax.f32 v35, $0.0e+00;
	v51 =	vcvt.s32.f32 v6;
	v63 =	vcvt.s32.f32 v62  }
0xa0: {  	v2 =	vadd.s32 v2, v44;
	[tilespmem:$0x1090] =	vst v0;
	v49 =	vmpcnt.ones.xlane vm12;
	v8 =	vmul.f32 v8, v12  }
0xa1: {  	v55 =	vmpcnt.ones.xlane vm14;
	v6 =	vadd.s32 v39, v52;
	v48 =	vcvt.s32.f32 v2;
	[tilespmem:$0x10B0] =	vst v51  }
0xa2: {  	v57 =	vcvt.s32.f32 v6;
	[tilespmem:$0x10F0] =	vst v63;
	v2 =	vadd.s32 v38, v49;
	v3 =	vadd.f32 v8, v3  }
0xa3: {  	v7 =	vadd.f32 v53, v7;
	[tilespmem:$0x10A0] =	vst v48;
	v54 =	vcvt.s32.f32 v2;
	v2 =	vadd.s32 v16, v55  }
0xa4: {  	v14 =	vadd.f32 v60, v14;
	[tilespmem:$0x10D0] =	vst v57;
	v60 =	vcvt.s32.f32 v2;
	v41 =	vnsel vm8, $0x0, v3  }
0xa5: {  	v5 =	vadd.f32 v50, v5;
	[tilespmem:$0x10C0] =	vst v54;
	v43 =	vnsel vm9, $0x0, v3;
	v7 =	vadd.f32 v41, v7  }
0xa6: {  	[tilespmem:$0x10E0] =	vst v60;
	v45 =	vnsel vm10, $0x0, v3;
	v53 =	vnsel vm13, $0x0, v3;
	v13 =	vadd.f32 v43, v17  }
0xa7: {  	v47 =	vnsel vm11, $0x0, v3;
	v56 =	vnsel vm14, $0x0, v3;
	v8 =	vadd.f32 v53, v18;
	[tilespmem:$0x1000] =	vst v7  }
0xa8: {  	v50 =	vnsel vm12, $0x0, v3;
	v3 =	vnsel vm15, $0x0, v3;
	v1 =	vadd.f32 v56, v1;
	[tilespmem:$0x1010] =	vst v13  }
0xa9: {  	v15 =	vadd.f32 v61, v15;
	v61 =	vadd.f32 v3, v5;
	[tilespmem:$0x1050] =	vst v8  }
0xaa: {  	v7 =	vadd.f32 v45, v14;
	[tilespmem:$0x1060] =	vst v1  }
0xab: {  	v13 =	vadd.f32 v47, v15;
	[tilespmem:$0x1070] =	vst v61  }
0xac: {  	[tilespmem:$0x1020] =	vst v7;
	v7 =	vadd.f32 v50, v11  }
0xad: {  	[tilespmem:$0x1030] =	vst v13  }
0xae: {  	s4 =	sadd.s32 s4, s2;
	s31 =	simm.s32 $0x1000;
	[tilespmem:$0x1040] =	vst v7  }
0xaf: {  	[spmem:s4] =	stream.linear.scatter [tilespmem:s31], [sflag:$0x4], $0x100, $0x38;
	[tilespmem:$0x2210] =	vst v63  }
0xb0: {  	s4 =	simm.s32 $0x4  }
0xb1: {  	_ =	swait.ge [sflag:s4], $0x100  }
0xb2: {  	[sflag:s4] =	ssyncset.done $0x0  }
0xb3: {  	[sflag:s4] =	ssyncadd.s32 $0xFFFFFF00  }
0xb4: {  	p0 =	sne.s32 s3, $0x0;
	[bflag:$0x0] =	sbarrier.arrive $0xFFFF  }
0xb5: {  	_ =	sfence.sel @p0 $0x180000  }
0xb6: {  	[bflag:$0x0] =	sbarrier.arrive @p0 $0xFFFF  }
0xb7: {  	_ =	strace @p0 $0x90000047  }
0xb8: {  	[bflag:$0x2] =	sbarrier.arrive @p0 $0xFFFF  }
0xb9: {  	_ =	shalt @p0  }
.LBB2_3:
0xba: {  	s3 =	simm.s32 $0x1100  }
0xbb: {  	[tilespmem:s3], [sflag:$0x4] =	stream.linear.gather [spmem:s2], $0x1000, $0x38;
	[tilespmem:$0x2210] =	vst v63  }
0xbc: {  	_ =	swait.ge [sflag:s4], $0x1000  }
0xbd: {  	[sflag:s4] =	ssyncset.done $0x0  }
0xbe: {  	[sflag:s4] =	ssyncadd.s32 $0xFFFFF000  }
0xbf: {  	v0 =	vld [tilespmem:$0x1100]  }
0xc0: {  	v1 =	vld [tilespmem:$0x1110]  }
0xc1: {  	v2 =	vld [tilespmem:$0x1120]  }
0xc2: {  	v3 =	vld [tilespmem:$0x1130]  }
0xc3: {  	v14 =	vld [tilespmem:$0x1140]  }
0xc4: {  	v15 =	vld [tilespmem:$0x1150]  }
0xc5: {  	v16 =	vld [tilespmem:$0x1160]  }
0xc6: {  	v18 =	vld [tilespmem:$0x1170]  }
0xc7: {  	v21 =	vld [tilespmem:$0x1180]  }
0xc8: {  	v22 =	vld [tilespmem:$0x1190]  }
0xc9: {  	v13 =	vld [tilespmem:$0x11A0]  }
0xca: {  	v12 =	vld [tilespmem:$0x11B0]  }
0xcb: {  	v10 =	vld [tilespmem:$0x11C0]  }
0xcc: {  	v9 =	vld [tilespmem:$0x11D0]  }
0xcd: {  	v8 =	vld [tilespmem:$0x11E0]  }
0xce: {  	s31 =	simm.s32 $0x0;
	v4 =	vld [tilespmem:$0x11F0]  }
0xcf: {  	v5 =	vld [tilespmem:s31+$0x12F0]  }
0xd0: {  	v6 =	vld [tilespmem:s31+$0x1200]  }
0xd1: {  	v17 =	vld [tilespmem:s31+$0x1210]  }
0xd2: {  	v20 =	vld [tilespmem:s31+$0x1220]  }
0xd3: {  	v23 =	vld [tilespmem:s31+$0x1230]  }
0xd4: {  	v24 =	vld [tilespmem:s31+$0x1240]  }
0xd5: {  	v25 =	vld [tilespmem:s31+$0x1250]  }
0xd6: {  	v26 =	vld [tilespmem:s31+$0x1260]  }
0xd7: {  	v27 =	vld [tilespmem:s31+$0x1270]  }
0xd8: {  	v28 =	vld [tilespmem:s31+$0x1280]  }
0xd9: {  	v29 =	vld [tilespmem:s31+$0x1290];
	v11 =	vadd.f32 v5, v4  }
0xda: {  	v19 =	vld [tilespmem:s31+$0x12A0];
	v7 =	vadd.f32 v6, v0;
	v5 =	vadd.f32 v17, v1  }
0xdb: {  	v6 =	vadd.f32 v20, v2;
	v4 =	vadd.f32 v23, v3;
	v20 =	vld [tilespmem:s31+$0x12B0]  }
0xdc: {  	v3 =	vadd.f32 v24, v14;
	v2 =	vadd.f32 v25, v15;
	v17 =	vld [tilespmem:s31+$0x12C0]  }
0xdd: {  	v1 =	vadd.f32 v26, v16;
	v0 =	vadd.f32 v27, v18;
	v16 =	vld [tilespmem:s31+$0x12D0]  }
0xde: {  	s2 =	simm.s32 $0x100;
	s3 =	simm.s32 $0x800;
	v15 =	vadd.f32 v28, v21;
	v14 =	vadd.f32 v29, v22;
	v18 =	vld [tilespmem:s31+$0x12E0]  }
.LBB2_4:
0xdf: {  	p0 =	sne.s32 s3, $0x3800;
	v21 =	vld [tilespmem:s2+$0x12F0];
	v13 =	vadd.f32 v19, v13  }
0xe0: {  	v19 =	vld [tilespmem:s2+$0x1200];
	v12 =	vadd.f32 v20, v12  }
0xe1: {  	v20 =	vld [tilespmem:s2+$0x1210];
	v10 =	vadd.f32 v17, v10  }
0xe2: {  	v17 =	vld [tilespmem:s2+$0x1220];
	v9 =	vadd.f32 v16, v9  }
0xe3: {  	v16 =	vld [tilespmem:s2+$0x1230];
	v8 =	vadd.f32 v18, v8  }
0xe4: {  	v18 =	vld [tilespmem:s2+$0x1240];
	v11 =	vadd.f32 v21, v11  }
0xe5: {  	v7 =	vadd.f32 v19, v7;
	v19 =	vld [tilespmem:s2+$0x1250]  }
0xe6: {  	v5 =	vadd.f32 v20, v5;
	v20 =	vld [tilespmem:s2+$0x1260]  }
0xe7: {  	v6 =	vadd.f32 v17, v6;
	v17 =	vld [tilespmem:s2+$0x1270]  }
0xe8: {  	v4 =	vadd.f32 v16, v4;
	v16 =	vld [tilespmem:s2+$0x1280]  }
0xe9: {  	v3 =	vadd.f32 v18, v3;
	v18 =	vld [tilespmem:s2+$0x1290]  }
.Ltmp1:
0xea: {  	v2 =	vadd.f32 v19, v2;
	v19 =	vld [tilespmem:s2+$0x12A0];
	(pc) =	sbr.rel @p0 .LBB2_4-.Ltmp1, $4  }
0xeb: {  	v1 =	vadd.f32 v20, v1;
	v20 =	vld [tilespmem:s2+$0x12B0]  }
0xec: {  	v0 =	vadd.f32 v17, v0;
	v17 =	vld [tilespmem:s2+$0x12C0]  }
0xed: {  	v15 =	vadd.f32 v16, v15;
	v16 =	vld [tilespmem:s2+$0x12D0]  }
0xee: {  	v14 =	vadd.f32 v18, v14;
	v18 =	vld [tilespmem:s2+$0x12E0];
	s2 =	sshra.s32 s3, $0x2;
	s3 =	sadd.s32 $0x400, s3  }
0xef: {  	v21 =	vld [tilespmem:s2+$0x1280];
	_ =	sdelay $0x2  }
0xf0: {  	v22 =	vld [tilespmem:s2+$0x1290]  }
0xf1: {  	v25 =	vld [tilespmem:s2+$0x12A0]  }
0xf2: {  	v15 =	vadd.f32 v21, v15;
	_ =	sdelay $0x1  }
0xf3: {  	v26 =	vld [tilespmem:s2+$0x12B0];
	v13 =	vadd.f32 v19, v13;
	(xrf2) =	vadd.scan.msk.f32 $0xffff, v15  }
0xf4: {  	v14 =	vadd.f32 v22, v14  }
0xf5: {  	v27 =	vld [tilespmem:s2+$0x12C0];
	v13 =	vadd.f32 v25, v13  }
0xf6: {  	v12 =	vadd.f32 v20, v12;
	(xrf2) =	vadd.scan.msk.f32 $0xffff, v14  }
0xf7: {  	v28 =	vld [tilespmem:s2+$0x12D0];
	(xrf2) =	vadd.scan.msk.f32 $0xffff, v13  }
0xf8: {  	v10 =	vadd.f32 v17, v10;
	v12 =	vadd.f32 v26, v12  }
0xf9: {  	v29 =	vld [tilespmem:s2+$0x12E0]  }
0xfa: {  	v9 =	vadd.f32 v16, v9;
	v10 =	vadd.f32 v27, v10;
	(xrf2) =	vadd.scan.msk.f32 $0xffff, v12  }
0xfb: {  	v30 =	vld [tilespmem:s2+$0x12F0]  }
0xfc: {  	v8 =	vadd.f32 v18, v8;
	v9 =	vadd.f32 v28, v9;
	(xrf2) =	vadd.scan.msk.f32 $0xffff, v10  }
0xfd: {  	v31, _, _ =	vpop (xrf2)  }
0xfe: {  	v8 =	vadd.f32 v29, v8;
	(xrf2) =	vadd.scan.msk.f32 $0xffff, v9;
	(v2sf) =	vpush v31, $0xF;
	_ =	sdelay $0x1  }
0xff: {  	v32 =	vadd.f32 v30, v11;
	v33, _, _ =	vpop (xrf2);
	(xrf2) =	vadd.scan.msk.f32 $0xffff, v8  }
0x100: {  	(v2sf) =	vpush v33, $0xF;
	v34, _, _ =	vpop (xrf2)  }
0x101: {  	(xrf2) =	vadd.scan.msk.f32 $0xffff, v32;
	(v2sf) =	vpush v34, $0xF;
	_ =	sdelay $0x1  }
0x102: {  	v35, _, _ =	vpop (xrf2)  }
0x103: {  	(v2sf) =	vpush v35, $0xF  }
0x104: {  	v36, _, _ =	vpop (xrf2)  }
0x105: {  	(v2sf) =	vpush v36, $0xF  }
0x106: {  	v37, _, _ =	vpop (xrf2)  }
0x107: {  	(v2sf) =	vpush v37, $0xF  }
0x108: {  	v38, _, _ =	vpop (xrf2)  }
0x109: {  	(v2sf) =	vpush v38, $0xF  }
0x10a: {  	v39, _, _ =	vpop (xrf2)  }
0x10b: {  	s3 =	spop (v2sf);
	(v2sf) =	vpush v39, $0xF  }
0x10c: {  	s3 =	smul.f32 $6.250000000e-02, s3;
	_ =	sdelay $0x1  }
0x10d: {  	s4 =	spop (v2sf);
	v40 =	vmov s3  }
0x10e: {  	s15 =	smul.f32 $6.250000000e-02, s4;
	s16 =	spop (v2sf);
	(erf) = vrcp.f32 v40  }
0x10f: {  	s17 =	smul.f32 $6.250000000e-02, s16  }
0x110: {  	v41 =	vmov s15  }
0x111: {  	s18 =	spop (v2sf);
	(erf) = vrcp.f32 v41;
	v43 =	vmov s17  }
0x112: {  	v42 =	vld [tilespmem:s2+$0x1200];
	s19 =	smul.f32 $6.250000000e-02, s18;
	(erf) = vrcp.f32 v43  }
0x113: {  	v44 =	vld [tilespmem:s2+$0x1210];
	s20 =	spop (v2sf)  }
0x114: {  	v45 =	vld [tilespmem:s2+$0x1220];
	s21 =	smul.f32 $6.250000000e-02, s20;
	v46 =	vmov s19  }
0x115: {  	v47 =	vld [tilespmem:s2+$0x1230];
	(erf) = vrcp.f32 v46;
	s22 =	spop (v2sf)  }
0x116: {  	v48 =	vmov s21;
	s23 =	smul.f32 $6.250000000e-02, s22  }
0x117: {  	v7 =	vadd.f32 v42, v7;
	s24 =	spop (v2sf);
	v49 =	vpop (erf);
	(erf) = vrcp.f32 v48  }
0x118: {  	v5 =	vadd.f32 v44, v5;
	s25 =	smul.f32 $6.250000000e-02, s24;
	v50 =	vmov s23  }
0x119: {  	v6 =	vadd.f32 v45, v6;
	v7 =	vmul.f32 v49, v7;
	(erf) = vrcp.f32 v50;
	s26 =	spop (v2sf)  }
0x11a: {  	v52 =	vld [tilespmem:s2+$0x1240];
	v4 =	vadd.f32 v47, v4;
	vm0 =	vgt.f32 v40, $0.0e+00;
	v51 =	vmov s25;
	v53 =	vpop (erf);
	s28 =	smul.f32 $6.250000000e-02, s26  }
0x11b: {  	v5 =	vmul.f32 v53, v5;
	(erf) = vrcp.f32 v51;
	v55 =	vpop (erf);
	v7 =	vadd.f32 $0.0e+00, v7  }
0x11c: {  	v54 =	vld [tilespmem:s2+$0x1250];
	vm9 =	vgt.f32 v41, $0.0e+00;
	v6 =	vmul.f32 v55, v6;
	v56 =	vmov s28  }
0x11d: {  	v5 =	vnsel vm9, $0x0, v5;
	v7 =	vnsel vm0, $0x0, v7;
	(erf) = vrcp.f32 v56  }
0x11e: {  	v58 =	vld [tilespmem:s2+$0x1260];
	vm10 =	vgt.f32 v43, $0.0e+00;
	v57 =	vpop (erf);
	v5 =	vadd.f32 v5, v7  }
0x11f: {  	v3 =	vadd.f32 v52, v3;
	v4 =	vmul.f32 v57, v4;
	v6 =	vnsel vm10, $0x0, v6  }
0x120: {  	v60 =	vld [tilespmem:s2+$0x1270];
	vm11 =	vgt.f32 v46, $0.0e+00;
	v5 =	vadd.f32 v6, v5;
	v59 =	vpop (erf)  }
0x121: {  	v2 =	vadd.f32 v54, v2;
	v4 =	vnsel vm11, $0x0, v4;
	v3 =	vmul.f32 v59, v3  }
0x122: {  	vm12 =	vgt.f32 v48, $0.0e+00;
	v61 =	vpop (erf);
	v4 =	vadd.f32 v4, v5  }
0x123: {  	v1 =	vadd.f32 v58, v1;
	v2 =	vmul.f32 v61, v2;
	v3 =	vnsel vm12, $0x0, v3  }
0x124: {  	vm13 =	vgt.f32 v50, $0.0e+00;
	v62 =	vpop (erf);
	v3 =	vadd.f32 v3, v4  }
0x125: {  	v0 =	vadd.f32 v60, v0;
	v1 =	vmul.f32 v62, v1;
	v2 =	vnsel vm13, $0x0, v2  }
0x126: {  	vm14 =	vgt.f32 v51, $0.0e+00;
	v2 =	vadd.f32 v2, v3;
	v63 =	vpop (erf)  }
0x127: {  	v1 =	vnsel vm14, $0x0, v1;
	v0 =	vmul.f32 v63, v0  }
0x128: {  	vm15 =	vgt.f32 v56, $0.0e+00;
	v1 =	vadd.f32 v1, v2  }
0x129: {  	v0 =	vnsel vm15, $0x0, v0  }
0x12a: {  	v0 =	vadd.f32 v0, v1;
	_ =	sdelay $0x1  }
0x12b: {  	(xrf2) =	vadd.scan.msk.f32 $0xffff, v0;
	_ =	sdelay $0x9  }
0x12c: {  	v0, _, _ =	vpop (xrf2)  }
0x12d: {  	v0 =	vbroadcast v0, $0xF;
	_ =	sdelay $0x1  }
0x12e: {  	s29 =	simm.s32 $0x0;
	s30 =	simm.s32 $0x2100;
	s31 =	simm.s32 $0x4;
	[tilespmem:$0x2100] =	vst v0  }
0x12f: {  	[hbm4b:s1+s29] =	stream.linear.scatter [tilespmem:s30], [sflag:$0x4], $0x10, $0x38;
	[tilespmem:$0x2210] =	vst v63  }
0x130: {  	_ =	swait.ge [sflag:s31], $0x10  }
0x131: {  	[sflag:s31] =	ssyncset.done $0x0  }
0x132: {  	[sflag:s31] =	ssyncadd.s32 $0xFFFFFFF0  }
0x133: {  	_ =	sfence.sel $0x180000  }
0x134: {  	[bflag:$0x0] =	sbarrier.arrive $0xFFFF  }
0x135: {  	_ =	strace $0x90000047  }
0x136: {  	s0 =	sadd.s32 $0x100000, s0;
	[bflag:$0x2] =	sbarrier.arrive $0xFFFF  }
0x137: {  	[sflag:s0] =	ssyncadd.tile.s32 $0x1;
	_ =	shalt  }
.Lfunc_end2:
_tile_overlayer_lowered:
.L_overlay_start_2:
0x138: {  	(tag) =	ssettag $0x2  }
0x139: {  	s0 =	rddreg [dreg:$0x0];
	s2 =	stileid.u32  }
0x13a: {  	s1 =	rddreg [dreg:$0x1];
	p0 =	sne.s32 s2, $0x0  }
0x13b: {  	s3 =	rddreg [dreg:$0x2];
	[bflag:$0x3] =	sbarrier.arrive $0xFFFF;
	s2 =	simm.s32 @!p0 $0x1C04  }
0x13c: {  	[timem:s3], [sflag:s2] =	dma.local @!p0 [hbm:s0], s1  }
0x13d: {  	s0 =	simm.s32 @!p0 $0x4  }
0x13e: {  	_ =	swait.ge @!p0 [sflag:s0], s1  }
0x13f: {  	s1 =	ssub.s32 @!p0 $0x0, s1;
	[sflag:s0] =	ssyncset.done @!p0 $0x0  }
0x140: {  	[sflag:s0] =	ssyncadd.s32 @!p0 s1  }
0x141: {  	[bflag:$0x3] =	sbarrier.arrive $0xFFFF  }
0x142: {  	_ =	shalt  }

</sc_bundles>
